<compile_context>
chip_gen: v7x
topology: tpu7x:2x2x1
jax: 0.10.2.dev20260603
libtpu: 0.0.44.dev20260713+nightly
codegen_flags: <defaults>
</compile_context>

<pallas_src>
import functools

import jax
import jax.numpy as jnp
import numpy as np
from jax import lax
from jax.experimental import pallas as pl
from jax.experimental.pallas import tpu as pltpu
from jax.experimental.pallas import tpu_sc as plsc

jax.config.update("jax_enable_x64", True)

_H = 16
_TP = 8
_NUM_SC_WORKERS = 32
_TB = 128


def _sc_gather(planes, idx_all):
    B = idx_all.shape[0]
    bpw = B // _NUM_SC_WORKERS
    mesh = plsc.VectorSubcoreMesh(core_axis_name="c", subcore_axis_name="s")

    @functools.partial(
        pl.kernel,
        mesh=mesh,
        compiler_params=pltpu.CompilerParams(use_tc_tiling_on_sc=False),
        out_type=jax.ShapeDtypeStruct((_TP, B), jnp.int32),
        scratch_types=[
            pltpu.VMEM((bpw,), jnp.int32),
            pltpu.VMEM((_TP, bpw), jnp.int32),
            pltpu.SemaphoreType.DMA,
        ],
    )
    def gather_kernel(*refs):
        tabs = refs[:_TP]
        idx_hbm, out_hbm, idx_v, rows_v, sem = refs[_TP:]
        wid = lax.axis_index("s") * 2 + lax.axis_index("c")
        base = wid * bpw
        pltpu.sync_copy(idx_hbm.at[pl.ds(base, bpw)], idx_v)
        handles = [pltpu.async_copy(tabs[p].at[idx_v],
                                    rows_v.at[jnp.int32(p)], sem)
                   for p in range(_TP)]
        for h in handles:
            h.wait()
        pltpu.sync_copy(rows_v, out_hbm.at[:, pl.ds(base, bpw)])

    return gather_kernel(*planes, idx_all)


def _tc_body(locs_ref, rmask_ref, semb_ref, nemb_ref, mask_ref, sel_ref, rl_ref):
    locs = locs_ref[...]
    sta = locs[0]
    pos = locs[1:]
    rm = rmask_ref[...]

    apos = jnp.abs(pos)
    pneg = pos < 0

    def cos16(cand):
        xr = apos ^ jnp.abs(cand)[None]
        f = (xr + 1).astype(jnp.float32)
        ex = lax.bitcast_convert_type(f, jnp.int32) >> 23
        mag = 142 - ex
        sgneg = pneg ^ (cand < 0)[None]
        return jnp.where(sgneg, -mag, mag)

    cs16 = cos16(sta)
    s16 = jnp.sum(cs16, axis=1, dtype=jnp.int32)
    base16 = s16[:, None, :] - cs16

    semb = semb_ref[...]
    nemb = nemb_ref[...]
    msk = mask_ref[...]
    sn = jnp.maximum(jnp.sqrt(jnp.sum(semb * semb, axis=0, keepdims=True)), 1e-12)
    nn = jnp.maximum(jnp.sqrt(jnp.sum(nemb * nemb, axis=1)), 1e-12)
    eu = jnp.sum(semb[None, :, :] * nemb, axis=1) / (sn * nn)
    w = jnp.abs(eu) * msk
    lth_inv = 1.0 / (jnp.sum(msk, axis=0, keepdims=True) + 1e-12)
    eu_b = eu[:, None, :]
    w_b = w[:, None, :]

    corr = jnp.log(jnp.float32(1000000.0) / jnp.float32(32.0))
    inv128 = np.float32(1.0 / 128.0)
    inv_tp = np.float32(1.0 / _TP)

    hidx = lax.broadcasted_iota(jnp.int32, (_H, 1, 1), 0)
    rmm = rm & (jnp.left_shift(jnp.int32(1), hidx) - 1)

    def body(c, carry):
        c = c.astype(jnp.int32)
        best_val, best_cos, best_cro, best_loc = carry
        j = jnp.where(c < _H, c, c - (_H + 1))
        j = jnp.maximum(j, 0)
        bit = jnp.left_shift(jnp.int32(1), j)
        rmj = jnp.sum(jnp.where(hidx == j, rmm, 0), axis=0,
                      dtype=jnp.int32)
        cand0 = (sta ^ bit) ^ rmj
        cand = jnp.where(c == _H, sta,
                         jnp.where(c < _H, cand0, -cand0))

        ct = (base16 + cos16(cand)).astype(jnp.float32) * inv128
        d = ct[:32] - eu_b
        lcos = jnp.sum(d * d * w_b, axis=0) * lth_inv

        x = ct[32:] * 20.0 + corr
        m = jnp.max(x, axis=0)
        lse = jnp.log(jnp.sum(jnp.exp(x - m[None]), axis=0)) + m
        lcro = lse - ct[32] * 20.0

        ltot = lcos + lcro
        upd = ltot < best_val
        return (jnp.where(upd, ltot, best_val),
                jnp.where(upd, lcos, best_cos),
                jnp.where(upd, lcro, best_cro),
                jnp.where(upd, cand, best_loc))

    tb = sta.shape[-1]
    init = (jnp.full((_TP, tb), jnp.inf, jnp.float32),
            jnp.zeros((_TP, tb), jnp.float32),
            jnp.zeros((_TP, tb), jnp.float32),
            jnp.zeros((_TP, tb), jnp.int32))
    best_val, best_cos, best_cro, best_loc = lax.fori_loop(
        jnp.int32(0), jnp.int32(2 * _H + 1), body, init, unroll=False)

    sel_ref[...] = best_loc
    rl = jnp.concatenate([
        jnp.sum(best_cos, axis=0, keepdims=True) * inv_tp,
        jnp.sum(best_cro, axis=0, keepdims=True) * inv_tp,
        jnp.sum(best_val, axis=0, keepdims=True) * inv_tp,
        jnp.zeros((5, tb), jnp.float32),
    ], axis=0)
    rl_ref[...] = rl


def _tc_compute(locs_t, rmask_t, semb_t, nemb_t, mask_t):
    t = locs_t.shape[-1]
    grid = (t // _TB,)
    sel, rl = pl.pallas_call(
        _tc_body,
        grid=grid,
        in_specs=[
            pl.BlockSpec((65, _TP, _TB), lambda i: (i * 0, i * 0, i)),
            pl.BlockSpec((_H, _TP, _TB), lambda i: (i * 0, i * 0, i)),
            pl.BlockSpec((64, _TB), lambda i: (i * 0, i)),
            pl.BlockSpec((32, 64, _TB), lambda i: (i * 0, i * 0, i)),
            pl.BlockSpec((32, _TB), lambda i: (i * 0, i)),
        ],
        out_specs=[
            pl.BlockSpec((_TP, _TB), lambda i: (i * 0, i)),
            pl.BlockSpec((8, _TB), lambda i: (i * 0, i)),
        ],
        out_shape=[
            jax.ShapeDtypeStruct((_TP, t), jnp.int32),
            jax.ShapeDtypeStruct((8, t), jnp.float32),
        ],
        compiler_params=pltpu.CompilerParams(
            dimension_semantics=("arbitrary",)),
    )(locs_t, rmask_t, semb_t, nemb_t, mask_t)
    return sel, rl


def kernel(sta_idx, nei_idx, voc_idx, sta_emb, nei_emb, voc_emb, random_masks,
           mask, main_locations):
    t = sta_idx.shape[0]
    n_nbr = nei_idx.shape[1]
    k_voc = voc_idx.shape[1]

    idx_all = jnp.concatenate(
        [sta_idx[:, None], nei_idx, voc_idx], axis=1).astype(jnp.int32)
    idx_flat = idx_all.reshape(t * (1 + n_nbr + k_voc))

    tab_pl = main_locations.T.astype(jnp.int32)
    planes = [tab_pl[p] for p in range(_TP)]

    gathered = _sc_gather(planes, idx_flat)
    locs = gathered.reshape(_TP, t, 1 + n_nbr + k_voc)
    locs_t = locs.transpose(2, 0, 1)

    rmask_t = random_masks.astype(jnp.int32).reshape(t, _H, _TP).transpose(1, 2, 0)
    semb_t = sta_emb.T
    nemb_t = nei_emb.transpose(1, 2, 0)
    mask_t = mask.T

    sel, rl = _tc_compute(locs_t, rmask_t, semb_t, nemb_t, mask_t)

    selected_locs = sel.T.astype(jnp.int64)
    return selected_locs, rl[0], rl[1], rl[2]

# --- scband reference (transcript-rebuilt; emitter-appended) ---
"""Pipeline reference for scband-criti-graph-24283745092024 (READ-ONLY COPY).

The authoritative reference and input builder live on the scoring server;
editing this copy changes nothing except your own understanding.
"""

import jax, jax.numpy as jnp
import numpy as np

jax.config.update("jax_enable_x64", True)

H = 16
TP = 8
EMB_SIZE = 1000000
N_NODE = 1 << H
N_K = 1
N_TRNBR = 32
K_VOCAB = 32
N_VOCAB = 1000000
D = 64
T = 1024
RATIO_COS = 1.0
RATIO_CRO = 1.0


def setup_inputs(seed: int = 0):
    key = jax.random.key(seed)
    ks = jax.random.split(key, 9)
    main_locations = jax.random.randint(ks[0], (EMB_SIZE, TP), 1 - N_NODE, N_NODE, dtype=jnp.int64)
    sta_idx = jax.random.randint(ks[1], (T,), 0, EMB_SIZE, dtype=jnp.int64)
    nei_idx = jax.random.randint(ks[2], (T, N_TRNBR), 0, EMB_SIZE, dtype=jnp.int64)
    voc_idx = jax.random.randint(ks[3], (T, K_VOCAB), 0, EMB_SIZE, dtype=jnp.int64)
    sta_emb = jax.random.normal(ks[4], (T, D), dtype=jnp.float32)
    nei_emb = jax.random.normal(ks[5], (T, N_TRNBR, D), dtype=jnp.float32)
    voc_emb = jax.random.normal(ks[6], (T, K_VOCAB, D), dtype=jnp.float32)
    random_masks = jax.random.randint(ks[7], (T, H, N_K, TP), 0, N_NODE, dtype=jnp.int64)
    mask = jnp.ones((T, N_TRNBR), dtype=jnp.float32)
    return {"sta_idx": sta_idx, "nei_idx": nei_idx, "voc_idx": voc_idx,
            "sta_emb": sta_emb, "nei_emb": nei_emb, "voc_emb": voc_emb,
            "random_masks": random_masks, "mask": mask,
            "main_locations": main_locations}


def _cos_similarity(c1, c2):
    sg = (((c1 >= 0).astype(jnp.int32) << 1) - 1) * (((c2 >= 0).astype(jnp.int32) << 1) - 1)
    xr = jnp.abs(c1) ^ jnp.abs(c2)
    _, ex = jnp.frexp((xr + 1).astype(jnp.float32))
    s = ex.astype(jnp.float32) / H
    return sg.astype(jnp.float32) * (1.0 - s)


def _connection(sta_loc, random_masks):
    bits = jnp.arange(H, dtype=jnp.int64)
    flip_masks = (jnp.int64(1) << bits)
    flipped = sta_loc[:, None, :] ^ flip_masks[None, :, None]
    ub = (jnp.int64(1) << bits) - 1
    masks = random_masks & ub[None, :, None, None]
    result = (flipped[:, :, None, :] ^ masks).reshape(sta_loc.shape[0], H * N_K, TP)
    return jnp.concatenate([result, sta_loc[:, None, :], -result], axis=1)


def _ct(sta_loc, nei_loc, voc_loc, random_masks):
    cnc_loc = _connection(sta_loc, random_masks)
    pos_loc = jnp.concatenate([nei_loc, voc_loc], axis=1)
    cos_sta_pos = _cos_similarity(sta_loc[:, None, :], pos_loc)
    cos_sta_pos_sum = cos_sta_pos.sum(axis=-1)
    cos_cnc_pos = _cos_similarity(cnc_loc[:, None, :, :], pos_loc[:, :, None, :])
    ct_val = (cos_sta_pos_sum[:, :, None, None] - cos_sta_pos[:, :, None, :] + cos_cnc_pos) / TP
    return cnc_loc, ct_val


def _normalize(x):
    return x / jnp.maximum(jnp.linalg.norm(x, axis=-1, keepdims=True), 1e-12)


def _losses(ct_val, sta_emb, nei_emb, mask):
    eu_cos_val = jnp.einsum('td,tnd->tn', _normalize(sta_emb), _normalize(nei_emb))
    eu = eu_cos_val[:, :, None, None]
    lc = (ct_val[:, :N_TRNBR] - eu) ** 2 * jnp.abs(eu) * mask[:, :, None, None]
    lth = mask.sum(axis=1) + 1e-12
    loss_cos = lc.sum(axis=1) / lth[:, None, None]
    ct_cro = ct_val[:, N_TRNBR:] * 20.0
    corr = jnp.log(jnp.float32(N_VOCAB) / jnp.float32(K_VOCAB))
    lse = jax.scipy.special.logsumexp(ct_cro + corr, axis=1)
    loss_cro = lse - ct_cro[:, 0]
    loss_tot = RATIO_COS * loss_cos + RATIO_CRO * loss_cro
    return loss_cos, loss_cro, loss_tot


def reference(sta_idx, nei_idx, voc_idx, sta_emb, nei_emb, voc_emb, random_masks, mask, main_locations):
    sta_loc = jnp.take(main_locations, sta_idx, axis=0)
    nei_loc = jnp.take(main_locations, nei_idx, axis=0)
    voc_loc = jnp.take(main_locations, voc_idx, axis=0)
    cnc_loc, ct_val = _ct(sta_loc, nei_loc, voc_loc, random_masks)
    loss_cos, loss_cro, loss_tot = _losses(ct_val, sta_emb, nei_emb, mask)
    arg = jnp.argmin(loss_tot, axis=1)
    selected_locs = jnp.take_along_axis(cnc_loc, arg[:, None, :], axis=1).squeeze(1)
    rl_cos = jnp.take_along_axis(loss_cos, arg[:, None, :], axis=1).squeeze(1).mean(axis=-1)
    rl_cro = jnp.take_along_axis(loss_cro, arg[:, None, :], axis=1).squeeze(1).mean(axis=-1)
    rl_tot = jnp.take_along_axis(loss_tot, arg[:, None, :], axis=1).squeeze(1).mean(axis=-1)
    return (selected_locs, rl_cos, rl_cro, rl_tot)

if __name__ == "__main__":
    import jax
    _d = setup_inputs()
    print(jax.jit(kernel)(*tuple(_d.values())))

</pallas_src>

<mosaic_0001>
#map = affine_map<(d0, d1) -> (0)>
#map1 = affine_map<(d0, d1) -> (0, 0)>
module attributes {stable_mosaic.version = 14 : i64} {
  func.func @gather_kernel(%arg0: i32, %arg1: i32, %arg2: memref<1000000xi32, #tpu.memory_space<hbm>>, %arg3: memref<1000000xi32, #tpu.memory_space<hbm>>, %arg4: memref<1000000xi32, #tpu.memory_space<hbm>>, %arg5: memref<1000000xi32, #tpu.memory_space<hbm>>, %arg6: memref<1000000xi32, #tpu.memory_space<hbm>>, %arg7: memref<1000000xi32, #tpu.memory_space<hbm>>, %arg8: memref<1000000xi32, #tpu.memory_space<hbm>>, %arg9: memref<1000000xi32, #tpu.memory_space<hbm>>, %arg10: memref<66560xi32, #tpu.memory_space<hbm>>, %arg11: memref<8x66560xi32, #tpu.memory_space<hbm>>, %arg12: memref<2080xi32, #tpu.memory_space<vmem>>, %arg13: memref<8x2080xi32, #tpu.memory_space<vmem>>, %arg14: memref<!tpu.dma_semaphore, #tpu.memory_space<semaphore_mem>>) attributes {dimension_semantics = [#tpu.dimension_semantics<core_parallel>, #tpu.dimension_semantics<subcore_parallel>], iteration_bounds = array<i64: 2, 16>, scalar_prefetch = 0 : i64, scratch_operands = 3 : i64, tpu.core_type = #tpu.core_type<sc_vector_subcore>, window_params = [{transform_indices = #map}, {transform_indices = #map}, {transform_indices = #map}, {transform_indices = #map}, {transform_indices = #map}, {transform_indices = #map}, {transform_indices = #map}, {transform_indices = #map}, {transform_indices = #map}, {transform_indices = #map1}]} {
    %mul3A = arith.constant 2 : i32
    %mul3A_0 = arith.muli %arg1, %mul3A : i32
    %add3A = arith.addi %mul3A_0, %arg0 : i32
    %mul3A_1 = arith.constant 2080 : i32
    %mul3A_2 = arith.muli %add3A, %mul3A_1 : i32
    "tpu.region"() ({
      %run_scoped3A = tpu.sem_alloc : memref<!tpu.dma_semaphore, #tpu.memory_space<semaphore_mem>>
      %dma_start3A_97 = tpu.memref_slice %arg10[%mul3A_2] : memref<66560xi32, #tpu.memory_space<hbm>> -> memref<2080xi32, #tpu.memory_space<hbm>>
      %dma_start3A_98 = tpu.memref_slice %arg10[%mul3A_2] : memref<66560xi32, #tpu.memory_space<hbm>> -> memref<2080xi32, #tpu.memory_space<hbm>>
      tpu.enqueue_dma source(%dma_start3A_98 : memref<2080xi32, #tpu.memory_space<hbm>>) target(%arg12 : memref<2080xi32, #tpu.memory_space<vmem>>) target_semaphore(%run_scoped3A : memref<!tpu.dma_semaphore, #tpu.memory_space<semaphore_mem>>)
      %dma_wait3A_99 = tpu.memref_slice %arg10[%mul3A_2] : memref<66560xi32, #tpu.memory_space<hbm>> -> memref<2080xi32, #tpu.memory_space<hbm>>
      %dma_wait3A_100 = tpu.memref_slice %arg10[%mul3A_2] : memref<66560xi32, #tpu.memory_space<hbm>> -> memref<2080xi32, #tpu.memory_space<hbm>>
      tpu.wait_dma2 semaphore(%run_scoped3A : memref<!tpu.dma_semaphore, #tpu.memory_space<semaphore_mem>>) src(%dma_wait3A_100 : memref<2080xi32, #tpu.memory_space<hbm>>) dst(%arg12 : memref<2080xi32, #tpu.memory_space<vmem>>)
      tpu.yield
    }) : () -> ()
    %dma_start3A = arith.constant 0 : i32
    %dma_start3A_3 = arith.constant 0 : i32
    %dma_start3A_4 = tpu.memref_slice %arg13[%dma_start3A, %dma_start3A_3] : memref<8x2080xi32, #tpu.memory_space<vmem>> -> memref<1x2080xi32, #tpu.memory_space<vmem>>
    %dma_start3A_5 = tpu.memref_squeeze %dma_start3A_4 : memref<1x2080xi32, #tpu.memory_space<vmem>> -> memref<2080xi32, #tpu.memory_space<vmem>>
    %dma_start3A_6 = arith.constant 0 : i32
    %dma_start3A_7 = tpu.memref_slice %arg2[%dma_start3A_6] : memref<1000000xi32, #tpu.memory_space<hbm>> -> memref<1000000xi32, #tpu.memory_space<hbm>>
    tpu.enqueue_indirect_dma source(%dma_start3A_7 : memref<1000000xi32, #tpu.memory_space<hbm>>) target(%dma_start3A_5 : memref<2080xi32, #tpu.memory_space<vmem>>) offsets(%arg12 : memref<2080xi32, #tpu.memory_space<vmem>>) semaphore(%arg14 : memref<!tpu.dma_semaphore, #tpu.memory_space<semaphore_mem>>)
    %dma_start3A_8 = arith.constant 1 : i32
    %dma_start3A_9 = arith.constant 0 : i32
    %dma_start3A_10 = tpu.memref_slice %arg13[%dma_start3A_8, %dma_start3A_9] : memref<8x2080xi32, #tpu.memory_space<vmem>> -> memref<1x2080xi32, #tpu.memory_space<vmem>>
    %dma_start3A_11 = tpu.memref_squeeze %dma_start3A_10 : memref<1x2080xi32, #tpu.memory_space<vmem>> -> memref<2080xi32, #tpu.memory_space<vmem>>
    %dma_start3A_12 = arith.constant 0 : i32
    %dma_start3A_13 = tpu.memref_slice %arg3[%dma_start3A_12] : memref<1000000xi32, #tpu.memory_space<hbm>> -> memref<1000000xi32, #tpu.memory_space<hbm>>
    tpu.enqueue_indirect_dma source(%dma_start3A_13 : memref<1000000xi32, #tpu.memory_space<hbm>>) target(%dma_start3A_11 : memref<2080xi32, #tpu.memory_space<vmem>>) offsets(%arg12 : memref<2080xi32, #tpu.memory_space<vmem>>) semaphore(%arg14 : memref<!tpu.dma_semaphore, #tpu.memory_space<semaphore_mem>>)
    %dma_start3A_14 = arith.constant 2 : i32
    %dma_start3A_15 = arith.constant 0 : i32
    %dma_start3A_16 = tpu.memref_slice %arg13[%dma_start3A_14, %dma_start3A_15] : memref<8x2080xi32, #tpu.memory_space<vmem>> -> memref<1x2080xi32, #tpu.memory_space<vmem>>
    %dma_start3A_17 = tpu.memref_squeeze %dma_start3A_16 : memref<1x2080xi32, #tpu.memory_space<vmem>> -> memref<2080xi32, #tpu.memory_space<vmem>>
    %dma_start3A_18 = arith.constant 0 : i32
    %dma_start3A_19 = tpu.memref_slice %arg4[%dma_start3A_18] : memref<1000000xi32, #tpu.memory_space<hbm>> -> memref<1000000xi32, #tpu.memory_space<hbm>>
    tpu.enqueue_indirect_dma source(%dma_start3A_19 : memref<1000000xi32, #tpu.memory_space<hbm>>) target(%dma_start3A_17 : memref<2080xi32, #tpu.memory_space<vmem>>) offsets(%arg12 : memref<2080xi32, #tpu.memory_space<vmem>>) semaphore(%arg14 : memref<!tpu.dma_semaphore, #tpu.memory_space<semaphore_mem>>)
    %dma_start3A_20 = arith.constant 3 : i32
    %dma_start3A_21 = arith.constant 0 : i32
    %dma_start3A_22 = tpu.memref_slice %arg13[%dma_start3A_20, %dma_start3A_21] : memref<8x2080xi32, #tpu.memory_space<vmem>> -> memref<1x2080xi32, #tpu.memory_space<vmem>>
    %dma_start3A_23 = tpu.memref_squeeze %dma_start3A_22 : memref<1x2080xi32, #tpu.memory_space<vmem>> -> memref<2080xi32, #tpu.memory_space<vmem>>
    %dma_start3A_24 = arith.constant 0 : i32
    %dma_start3A_25 = tpu.memref_slice %arg5[%dma_start3A_24] : memref<1000000xi32, #tpu.memory_space<hbm>> -> memref<1000000xi32, #tpu.memory_space<hbm>>
    tpu.enqueue_indirect_dma source(%dma_start3A_25 : memref<1000000xi32, #tpu.memory_space<hbm>>) target(%dma_start3A_23 : memref<2080xi32, #tpu.memory_space<vmem>>) offsets(%arg12 : memref<2080xi32, #tpu.memory_space<vmem>>) semaphore(%arg14 : memref<!tpu.dma_semaphore, #tpu.memory_space<semaphore_mem>>)
    %dma_start3A_26 = arith.constant 4 : i32
    %dma_start3A_27 = arith.constant 0 : i32
    %dma_start3A_28 = tpu.memref_slice %arg13[%dma_start3A_26, %dma_start3A_27] : memref<8x2080xi32, #tpu.memory_space<vmem>> -> memref<1x2080xi32, #tpu.memory_space<vmem>>
    %dma_start3A_29 = tpu.memref_squeeze %dma_start3A_28 : memref<1x2080xi32, #tpu.memory_space<vmem>> -> memref<2080xi32, #tpu.memory_space<vmem>>
    %dma_start3A_30 = arith.constant 0 : i32
    %dma_start3A_31 = tpu.memref_slice %arg6[%dma_start3A_30] : memref<1000000xi32, #tpu.memory_space<hbm>> -> memref<1000000xi32, #tpu.memory_space<hbm>>
    tpu.enqueue_indirect_dma source(%dma_start3A_31 : memref<1000000xi32, #tpu.memory_space<hbm>>) target(%dma_start3A_29 : memref<2080xi32, #tpu.memory_space<vmem>>) offsets(%arg12 : memref<2080xi32, #tpu.memory_space<vmem>>) semaphore(%arg14 : memref<!tpu.dma_semaphore, #tpu.memory_space<semaphore_mem>>)
    %dma_start3A_32 = arith.constant 5 : i32
    %dma_start3A_33 = arith.constant 0 : i32
    %dma_start3A_34 = tpu.memref_slice %arg13[%dma_start3A_32, %dma_start3A_33] : memref<8x2080xi32, #tpu.memory_space<vmem>> -> memref<1x2080xi32, #tpu.memory_space<vmem>>
    %dma_start3A_35 = tpu.memref_squeeze %dma_start3A_34 : memref<1x2080xi32, #tpu.memory_space<vmem>> -> memref<2080xi32, #tpu.memory_space<vmem>>
    %dma_start3A_36 = arith.constant 0 : i32
    %dma_start3A_37 = tpu.memref_slice %arg7[%dma_start3A_36] : memref<1000000xi32, #tpu.memory_space<hbm>> -> memref<1000000xi32, #tpu.memory_space<hbm>>
    tpu.enqueue_indirect_dma source(%dma_start3A_37 : memref<1000000xi32, #tpu.memory_space<hbm>>) target(%dma_start3A_35 : memref<2080xi32, #tpu.memory_space<vmem>>) offsets(%arg12 : memref<2080xi32, #tpu.memory_space<vmem>>) semaphore(%arg14 : memref<!tpu.dma_semaphore, #tpu.memory_space<semaphore_mem>>)
    %dma_start3A_38 = arith.constant 6 : i32
    %dma_start3A_39 = arith.constant 0 : i32
    %dma_start3A_40 = tpu.memref_slice %arg13[%dma_start3A_38, %dma_start3A_39] : memref<8x2080xi32, #tpu.memory_space<vmem>> -> memref<1x2080xi32, #tpu.memory_space<vmem>>
    %dma_start3A_41 = tpu.memref_squeeze %dma_start3A_40 : memref<1x2080xi32, #tpu.memory_space<vmem>> -> memref<2080xi32, #tpu.memory_space<vmem>>
    %dma_start3A_42 = arith.constant 0 : i32
    %dma_start3A_43 = tpu.memref_slice %arg8[%dma_start3A_42] : memref<1000000xi32, #tpu.memory_space<hbm>> -> memref<1000000xi32, #tpu.memory_space<hbm>>
    tpu.enqueue_indirect_dma source(%dma_start3A_43 : memref<1000000xi32, #tpu.memory_space<hbm>>) target(%dma_start3A_41 : memref<2080xi32, #tpu.memory_space<vmem>>) offsets(%arg12 : memref<2080xi32, #tpu.memory_space<vmem>>) semaphore(%arg14 : memref<!tpu.dma_semaphore, #tpu.memory_space<semaphore_mem>>)
    %dma_start3A_44 = arith.constant 7 : i32
    %dma_start3A_45 = arith.constant 0 : i32
    %dma_start3A_46 = tpu.memref_slice %arg13[%dma_start3A_44, %dma_start3A_45] : memref<8x2080xi32, #tpu.memory_space<vmem>> -> memref<1x2080xi32, #tpu.memory_space<vmem>>
    %dma_start3A_47 = tpu.memref_squeeze %dma_start3A_46 : memref<1x2080xi32, #tpu.memory_space<vmem>> -> memref<2080xi32, #tpu.memory_space<vmem>>
    %dma_start3A_48 = arith.constant 0 : i32
    %dma_start3A_49 = tpu.memref_slice %arg9[%dma_start3A_48] : memref<1000000xi32, #tpu.memory_space<hbm>> -> memref<1000000xi32, #tpu.memory_space<hbm>>
    tpu.enqueue_indirect_dma source(%dma_start3A_49 : memref<1000000xi32, #tpu.memory_space<hbm>>) target(%dma_start3A_47 : memref<2080xi32, #tpu.memory_space<vmem>>) offsets(%arg12 : memref<2080xi32, #tpu.memory_space<vmem>>) semaphore(%arg14 : memref<!tpu.dma_semaphore, #tpu.memory_space<semaphore_mem>>)
    %dma_wait3A = arith.constant 0 : i32
    %dma_wait3A_50 = arith.constant 0 : i32
    %dma_wait3A_51 = tpu.memref_slice %arg13[%dma_wait3A, %dma_wait3A_50] : memref<8x2080xi32, #tpu.memory_space<vmem>> -> memref<1x2080xi32, #tpu.memory_space<vmem>>
    %dma_wait3A_52 = tpu.memref_squeeze %dma_wait3A_51 : memref<1x2080xi32, #tpu.memory_space<vmem>> -> memref<2080xi32, #tpu.memory_space<vmem>>
    %dma_wait3A_53 = arith.constant 0 : i32
    %dma_wait3A_54 = tpu.memref_slice %arg2[%dma_wait3A_53] : memref<1000000xi32, #tpu.memory_space<hbm>> -> memref<1000000xi32, #tpu.memory_space<hbm>>
    tpu.wait_indirect_dma semaphore(%arg14 : memref<!tpu.dma_semaphore, #tpu.memory_space<semaphore_mem>>) src(%dma_wait3A_54 : memref<1000000xi32, #tpu.memory_space<hbm>>) dst(%dma_wait3A_52 : memref<2080xi32, #tpu.memory_space<vmem>>)
    %dma_wait3A_55 = arith.constant 1 : i32
    %dma_wait3A_56 = arith.constant 0 : i32
    %dma_wait3A_57 = tpu.memref_slice %arg13[%dma_wait3A_55, %dma_wait3A_56] : memref<8x2080xi32, #tpu.memory_space<vmem>> -> memref<1x2080xi32, #tpu.memory_space<vmem>>
    %dma_wait3A_58 = tpu.memref_squeeze %dma_wait3A_57 : memref<1x2080xi32, #tpu.memory_space<vmem>> -> memref<2080xi32, #tpu.memory_space<vmem>>
    %dma_wait3A_59 = arith.constant 0 : i32
    %dma_wait3A_60 = tpu.memref_slice %arg3[%dma_wait3A_59] : memref<1000000xi32, #tpu.memory_space<hbm>> -> memref<1000000xi32, #tpu.memory_space<hbm>>
    tpu.wait_indirect_dma semaphore(%arg14 : memref<!tpu.dma_semaphore, #tpu.memory_space<semaphore_mem>>) src(%dma_wait3A_60 : memref<1000000xi32, #tpu.memory_space<hbm>>) dst(%dma_wait3A_58 : memref<2080xi32, #tpu.memory_space<vmem>>)
    %dma_wait3A_61 = arith.constant 2 : i32
    %dma_wait3A_62 = arith.constant 0 : i32
    %dma_wait3A_63 = tpu.memref_slice %arg13[%dma_wait3A_61, %dma_wait3A_62] : memref<8x2080xi32, #tpu.memory_space<vmem>> -> memref<1x2080xi32, #tpu.memory_space<vmem>>
    %dma_wait3A_64 = tpu.memref_squeeze %dma_wait3A_63 : memref<1x2080xi32, #tpu.memory_space<vmem>> -> memref<2080xi32, #tpu.memory_space<vmem>>
    %dma_wait3A_65 = arith.constant 0 : i32
    %dma_wait3A_66 = tpu.memref_slice %arg4[%dma_wait3A_65] : memref<1000000xi32, #tpu.memory_space<hbm>> -> memref<1000000xi32, #tpu.memory_space<hbm>>
    tpu.wait_indirect_dma semaphore(%arg14 : memref<!tpu.dma_semaphore, #tpu.memory_space<semaphore_mem>>) src(%dma_wait3A_66 : memref<1000000xi32, #tpu.memory_space<hbm>>) dst(%dma_wait3A_64 : memref<2080xi32, #tpu.memory_space<vmem>>)
    %dma_wait3A_67 = arith.constant 3 : i32
    %dma_wait3A_68 = arith.constant 0 : i32
    %dma_wait3A_69 = tpu.memref_slice %arg13[%dma_wait3A_67, %dma_wait3A_68] : memref<8x2080xi32, #tpu.memory_space<vmem>> -> memref<1x2080xi32, #tpu.memory_space<vmem>>
    %dma_wait3A_70 = tpu.memref_squeeze %dma_wait3A_69 : memref<1x2080xi32, #tpu.memory_space<vmem>> -> memref<2080xi32, #tpu.memory_space<vmem>>
    %dma_wait3A_71 = arith.constant 0 : i32
    %dma_wait3A_72 = tpu.memref_slice %arg5[%dma_wait3A_71] : memref<1000000xi32, #tpu.memory_space<hbm>> -> memref<1000000xi32, #tpu.memory_space<hbm>>
    tpu.wait_indirect_dma semaphore(%arg14 : memref<!tpu.dma_semaphore, #tpu.memory_space<semaphore_mem>>) src(%dma_wait3A_72 : memref<1000000xi32, #tpu.memory_space<hbm>>) dst(%dma_wait3A_70 : memref<2080xi32, #tpu.memory_space<vmem>>)
    %dma_wait3A_73 = arith.constant 4 : i32
    %dma_wait3A_74 = arith.constant 0 : i32
    %dma_wait3A_75 = tpu.memref_slice %arg13[%dma_wait3A_73, %dma_wait3A_74] : memref<8x2080xi32, #tpu.memory_space<vmem>> -> memref<1x2080xi32, #tpu.memory_space<vmem>>
    %dma_wait3A_76 = tpu.memref_squeeze %dma_wait3A_75 : memref<1x2080xi32, #tpu.memory_space<vmem>> -> memref<2080xi32, #tpu.memory_space<vmem>>
    %dma_wait3A_77 = arith.constant 0 : i32
    %dma_wait3A_78 = tpu.memref_slice %arg6[%dma_wait3A_77] : memref<1000000xi32, #tpu.memory_space<hbm>> -> memref<1000000xi32, #tpu.memory_space<hbm>>
    tpu.wait_indirect_dma semaphore(%arg14 : memref<!tpu.dma_semaphore, #tpu.memory_space<semaphore_mem>>) src(%dma_wait3A_78 : memref<1000000xi32, #tpu.memory_space<hbm>>) dst(%dma_wait3A_76 : memref<2080xi32, #tpu.memory_space<vmem>>)
    %dma_wait3A_79 = arith.constant 5 : i32
    %dma_wait3A_80 = arith.constant 0 : i32
    %dma_wait3A_81 = tpu.memref_slice %arg13[%dma_wait3A_79, %dma_wait3A_80] : memref<8x2080xi32, #tpu.memory_space<vmem>> -> memref<1x2080xi32, #tpu.memory_space<vmem>>
    %dma_wait3A_82 = tpu.memref_squeeze %dma_wait3A_81 : memref<1x2080xi32, #tpu.memory_space<vmem>> -> memref<2080xi32, #tpu.memory_space<vmem>>
    %dma_wait3A_83 = arith.constant 0 : i32
    %dma_wait3A_84 = tpu.memref_slice %arg7[%dma_wait3A_83] : memref<1000000xi32, #tpu.memory_space<hbm>> -> memref<1000000xi32, #tpu.memory_space<hbm>>
    tpu.wait_indirect_dma semaphore(%arg14 : memref<!tpu.dma_semaphore, #tpu.memory_space<semaphore_mem>>) src(%dma_wait3A_84 : memref<1000000xi32, #tpu.memory_space<hbm>>) dst(%dma_wait3A_82 : memref<2080xi32, #tpu.memory_space<vmem>>)
    %dma_wait3A_85 = arith.constant 6 : i32
    %dma_wait3A_86 = arith.constant 0 : i32
    %dma_wait3A_87 = tpu.memref_slice %arg13[%dma_wait3A_85, %dma_wait3A_86] : memref<8x2080xi32, #tpu.memory_space<vmem>> -> memref<1x2080xi32, #tpu.memory_space<vmem>>
    %dma_wait3A_88 = tpu.memref_squeeze %dma_wait3A_87 : memref<1x2080xi32, #tpu.memory_space<vmem>> -> memref<2080xi32, #tpu.memory_space<vmem>>
    %dma_wait3A_89 = arith.constant 0 : i32
    %dma_wait3A_90 = tpu.memref_slice %arg8[%dma_wait3A_89] : memref<1000000xi32, #tpu.memory_space<hbm>> -> memref<1000000xi32, #tpu.memory_space<hbm>>
    tpu.wait_indirect_dma semaphore(%arg14 : memref<!tpu.dma_semaphore, #tpu.memory_space<semaphore_mem>>) src(%dma_wait3A_90 : memref<1000000xi32, #tpu.memory_space<hbm>>) dst(%dma_wait3A_88 : memref<2080xi32, #tpu.memory_space<vmem>>)
    %dma_wait3A_91 = arith.constant 7 : i32
    %dma_wait3A_92 = arith.constant 0 : i32
    %dma_wait3A_93 = tpu.memref_slice %arg13[%dma_wait3A_91, %dma_wait3A_92] : memref<8x2080xi32, #tpu.memory_space<vmem>> -> memref<1x2080xi32, #tpu.memory_space<vmem>>
    %dma_wait3A_94 = tpu.memref_squeeze %dma_wait3A_93 : memref<1x2080xi32, #tpu.memory_space<vmem>> -> memref<2080xi32, #tpu.memory_space<vmem>>
    %dma_wait3A_95 = arith.constant 0 : i32
    %dma_wait3A_96 = tpu.memref_slice %arg9[%dma_wait3A_95] : memref<1000000xi32, #tpu.memory_space<hbm>> -> memref<1000000xi32, #tpu.memory_space<hbm>>
    tpu.wait_indirect_dma semaphore(%arg14 : memref<!tpu.dma_semaphore, #tpu.memory_space<semaphore_mem>>) src(%dma_wait3A_96 : memref<1000000xi32, #tpu.memory_space<hbm>>) dst(%dma_wait3A_94 : memref<2080xi32, #tpu.memory_space<vmem>>)
    "tpu.region"() ({
      %run_scoped3A = tpu.sem_alloc : memref<!tpu.dma_semaphore, #tpu.memory_space<semaphore_mem>>
      %dma_start3A_97 = arith.constant 0 : i32
      %dma_start3A_98 = tpu.memref_slice %arg11[%dma_start3A_97, %mul3A_2] : memref<8x66560xi32, #tpu.memory_space<hbm>> -> memref<8x2080xi32, #tpu.memory_space<hbm>>
      %dma_start3A_99 = arith.constant 0 : i32
      %dma_start3A_100 = tpu.memref_slice %arg11[%dma_start3A_99, %mul3A_2] : memref<8x66560xi32, #tpu.memory_space<hbm>> -> memref<8x2080xi32, #tpu.memory_space<hbm>>
      tpu.enqueue_dma source(%arg13 : memref<8x2080xi32, #tpu.memory_space<vmem>>) target(%dma_start3A_100 : memref<8x2080xi32, #tpu.memory_space<hbm>>) target_semaphore(%run_scoped3A : memref<!tpu.dma_semaphore, #tpu.memory_space<semaphore_mem>>)
      %dma_wait3A_101 = arith.constant 0 : i32
      %dma_wait3A_102 = tpu.memref_slice %arg11[%dma_wait3A_101, %mul3A_2] : memref<8x66560xi32, #tpu.memory_space<hbm>> -> memref<8x2080xi32, #tpu.memory_space<hbm>>
      %dma_wait3A_103 = arith.constant 0 : i32
      %dma_wait3A_104 = tpu.memref_slice %arg11[%dma_wait3A_103, %mul3A_2] : memref<8x66560xi32, #tpu.memory_space<hbm>> -> memref<8x2080xi32, #tpu.memory_space<hbm>>
      tpu.wait_dma2 semaphore(%run_scoped3A : memref<!tpu.dma_semaphore, #tpu.memory_space<semaphore_mem>>) src(%arg13 : memref<8x2080xi32, #tpu.memory_space<vmem>>) dst(%dma_wait3A_104 : memref<8x2080xi32, #tpu.memory_space<hbm>>)
      tpu.yield
    }) : () -> ()
    return
  }
}

module attributes {stable_mosaic.version = 14 : i64} {
  func.func @_tc_body(%arg0: i32, %arg1: memref<65x8x128xi32, #tpu.memory_space<vmem>>, %arg2: memref<16x8x128xi32, #tpu.memory_space<vmem>>, %arg3: memref<64x128xf32, #tpu.memory_space<vmem>>, %arg4: memref<32x64x128xf32, #tpu.memory_space<vmem>>, %arg5: memref<32x128xf32, #tpu.memory_space<vmem>>, %arg6: memref<8x128xi32, #tpu.memory_space<vmem>>, %arg7: memref<8x128xf32, #tpu.memory_space<vmem>>) attributes {dimension_semantics = [#tpu.dimension_semantics<arbitrary>], iteration_bounds = array<i64: 8>, scalar_prefetch = 0 : i64, scratch_operands = 0 : i64, tpu.core_type = #tpu.core_type<tc>, window_params = [{transform_indices = @transform_0, window_bounds = array<i64: 65, 8, 128>}, {transform_indices = @transform_1, window_bounds = array<i64: 16, 8, 128>}, {transform_indices = @transform_2, window_bounds = array<i64: 64, 128>}, {transform_indices = @transform_3, window_bounds = array<i64: 32, 64, 128>}, {transform_indices = @transform_4, window_bounds = array<i64: 32, 128>}, {transform_indices = @transform_5, window_bounds = array<i64: 8, 128>}, {transform_indices = @transform_6, window_bounds = array<i64: 8, 128>}]} {
    %get3A = arith.constant 0 : index
    %get3A_0 = arith.constant 0 : index
    %get3A_1 = arith.constant 0 : index
    %get3A_2 = vector.load %arg1[%get3A, %get3A_0, %get3A_1] : memref<65x8x128xi32, #tpu.memory_space<vmem>>, vector<65x8x128xi32>
    %slice3A = vector.extract_strided_slice %get3A_2 {offsets = [0, 0, 0], sizes = [1, 8, 128], strides = [1, 1, 1]} : vector<65x8x128xi32> to vector<1x8x128xi32>
    %squeeze3A = vector.shape_cast %slice3A : vector<1x8x128xi32> to vector<8x128xi32>
    %slice3A_3 = vector.extract_strided_slice %get3A_2 {offsets = [1, 0, 0], sizes = [64, 8, 128], strides = [1, 1, 1]} : vector<65x8x128xi32> to vector<64x8x128xi32>
    %get3A_4 = arith.constant 0 : index
    %get3A_5 = arith.constant 0 : index
    %get3A_6 = arith.constant 0 : index
    %get3A_7 = vector.load %arg2[%get3A_4, %get3A_5, %get3A_6] : memref<16x8x128xi32, #tpu.memory_space<vmem>>, vector<16x8x128xi32>
    %abs3A = math.absi %slice3A_3 : vector<64x8x128xi32>
    %lt3A = arith.constant 0 : i32
    %lt3A_8 = vector.broadcast %lt3A : i32 to vector<64x8x128xi32>
    %lt3A_9 = arith.cmpi slt, %slice3A_3, %lt3A_8 : vector<64x8x128xi32>
    %abs3A_10 = math.absi %squeeze3A : vector<8x128xi32>
    %broadcast_in_dim3A = vector.shape_cast %abs3A_10 : vector<8x128xi32> to vector<1x8x128xi32>
    %xor3A = vector.broadcast %broadcast_in_dim3A : vector<1x8x128xi32> to vector<64x8x128xi32>
    %xor3A_11 = arith.xori %abs3A, %xor3A : vector<64x8x128xi32>
    %add3A = arith.constant 1 : i32
    %add3A_12 = vector.broadcast %add3A : i32 to vector<64x8x128xi32>
    %add3A_13 = arith.addi %xor3A_11, %add3A_12 : vector<64x8x128xi32>
    %convert_element_type3A = arith.sitofp %add3A_13 : vector<64x8x128xi32> to vector<64x8x128xf32>
    %bitcast_convert_type3A = tpu.bitcast %convert_element_type3A : vector<64x8x128xf32> -> vector<64x8x128xi32>
    %shift_right_arithmetic3A = arith.constant 23 : i32
    %shift_right_arithmetic3A_14 = vector.broadcast %shift_right_arithmetic3A : i32 to vector<64x8x128xi32>
    %shift_right_arithmetic3A_15 = arith.shrsi %bitcast_convert_type3A, %shift_right_arithmetic3A_14 : vector<64x8x128xi32>
    %sub3A = arith.constant 142 : i32
    %sub3A_16 = vector.broadcast %sub3A : i32 to vector<64x8x128xi32>
    %sub3A_17 = arith.subi %sub3A_16, %shift_right_arithmetic3A_15 : vector<64x8x128xi32>
    %lt3A_18 = arith.constant 0 : i32
    %lt3A_19 = vector.broadcast %lt3A_18 : i32 to vector<8x128xi32>
    %lt3A_20 = arith.cmpi slt, %squeeze3A, %lt3A_19 : vector<8x128xi32>
    %broadcast_in_dim3A_21 = vector.shape_cast %lt3A_20 : vector<8x128xi1> to vector<1x8x128xi1>
    %xor3A_22 = vector.broadcast %broadcast_in_dim3A_21 : vector<1x8x128xi1> to vector<64x8x128xi1>
    %xor3A_23 = arith.xori %lt3A_9, %xor3A_22 : vector<64x8x128xi1>
    %neg3A = arith.constant 0 : i32
    %neg3A_24 = vector.broadcast %neg3A : i32 to vector<64x8x128xi32>
    %neg3A_25 = arith.subi %neg3A_24, %sub3A_17 : vector<64x8x128xi32>
    %select_n3A = arith.select %xor3A_23, %neg3A_25, %sub3A_17 : vector<64x8x128xi1>, vector<64x8x128xi32>
    %reduce_sum3A = arith.constant dense<0> : vector<64x128xi32>
    %reduce_sum3A_26 = vector.multi_reduction <add>, %select_n3A, %reduce_sum3A [1] : vector<64x8x128xi32> to vector<64x128xi32>
    %broadcast_in_dim3A_27 = vector.shape_cast %reduce_sum3A_26 : vector<64x128xi32> to vector<64x1x128xi32>
    %sub3A_28 = vector.broadcast %broadcast_in_dim3A_27 : vector<64x1x128xi32> to vector<64x8x128xi32>
    %sub3A_29 = arith.subi %sub3A_28, %select_n3A : vector<64x8x128xi32>
    %get3A_30 = arith.constant 0 : index
    %get3A_31 = arith.constant 0 : index
    %get3A_32 = vector.load %arg3[%get3A_30, %get3A_31] : memref<64x128xf32, #tpu.memory_space<vmem>>, vector<64x128xf32>
    %get3A_33 = arith.constant 0 : index
    %get3A_34 = arith.constant 0 : index
    %get3A_35 = arith.constant 0 : index
    %get3A_36 = vector.load %arg4[%get3A_33, %get3A_34, %get3A_35] : memref<32x64x128xf32, #tpu.memory_space<vmem>>, vector<32x64x128xf32>
    %get3A_37 = arith.constant 0 : index
    %get3A_38 = arith.constant 0 : index
    %get3A_39 = vector.load %arg5[%get3A_37, %get3A_38] : memref<32x128xf32, #tpu.memory_space<vmem>>, vector<32x128xf32>
    %mul3A = arith.mulf %get3A_32, %get3A_32 : vector<64x128xf32>
    %reduce_sum3A_40 = arith.constant dense<0.000000e+00> : vector<128xf32>
    %reduce_sum3A_41 = vector.multi_reduction <add>, %mul3A, %reduce_sum3A_40 [0] : vector<64x128xf32> to vector<128xf32>
    %broadcast_in_dim3A_42 = vector.shape_cast %reduce_sum3A_41 : vector<128xf32> to vector<1x128xf32>
    %sqrt3A = math.sqrt %broadcast_in_dim3A_42 : vector<1x128xf32>
    %max3A = arith.constant 9.99999996E-13 : f32
    %max3A_43 = vector.broadcast %max3A : f32 to vector<1x128xf32>
    %max3A_44 = arith.maximumf %sqrt3A, %max3A_43 : vector<1x128xf32>
    %mul3A_45 = arith.mulf %get3A_36, %get3A_36 : vector<32x64x128xf32>
    %reduce_sum3A_46 = arith.constant dense<0.000000e+00> : vector<32x128xf32>
    %reduce_sum3A_47 = vector.multi_reduction <add>, %mul3A_45, %reduce_sum3A_46 [1] : vector<32x64x128xf32> to vector<32x128xf32>
    %sqrt3A_48 = math.sqrt %reduce_sum3A_47 : vector<32x128xf32>
    %max3A_49 = arith.constant 9.99999996E-13 : f32
    %max3A_50 = vector.broadcast %max3A_49 : f32 to vector<32x128xf32>
    %max3A_51 = arith.maximumf %sqrt3A_48, %max3A_50 : vector<32x128xf32>
    %broadcast_in_dim3A_52 = vector.shape_cast %get3A_32 : vector<64x128xf32> to vector<1x64x128xf32>
    %mul3A_53 = vector.broadcast %broadcast_in_dim3A_52 : vector<1x64x128xf32> to vector<32x64x128xf32>
    %mul3A_54 = arith.mulf %mul3A_53, %get3A_36 : vector<32x64x128xf32>
    %reduce_sum3A_55 = arith.constant dense<0.000000e+00> : vector<32x128xf32>
    %reduce_sum3A_56 = vector.multi_reduction <add>, %mul3A_54, %reduce_sum3A_55 [1] : vector<32x64x128xf32> to vector<32x128xf32>
    %mul3A_57 = vector.broadcast %max3A_44 : vector<1x128xf32> to vector<32x128xf32>
    %mul3A_58 = arith.mulf %mul3A_57, %max3A_51 : vector<32x128xf32>
    %div3A = arith.divf %reduce_sum3A_56, %mul3A_58 : vector<32x128xf32>
    %abs3A_59 = math.absf %div3A : vector<32x128xf32>
    %mul3A_60 = arith.mulf %abs3A_59, %get3A_39 : vector<32x128xf32>
    %reduce_sum3A_61 = arith.constant dense<0.000000e+00> : vector<128xf32>
    %reduce_sum3A_62 = vector.multi_reduction <add>, %get3A_39, %reduce_sum3A_61 [0] : vector<32x128xf32> to vector<128xf32>
    %broadcast_in_dim3A_63 = vector.shape_cast %reduce_sum3A_62 : vector<128xf32> to vector<1x128xf32>
    %add3A_64 = arith.constant 9.99999996E-13 : f32
    %add3A_65 = vector.broadcast %add3A_64 : f32 to vector<1x128xf32>
    %add3A_66 = arith.addf %broadcast_in_dim3A_63, %add3A_65 : vector<1x128xf32>
    %div3A_67 = arith.constant 1.000000e+00 : f32
    %div3A_68 = vector.broadcast %div3A_67 : f32 to vector<1x128xf32>
    %div3A_69 = arith.divf %div3A_68, %add3A_66 : vector<1x128xf32>
    %broadcast_in_dim3A_70 = vector.shape_cast %div3A : vector<32x128xf32> to vector<32x1x128xf32>
    %broadcast_in_dim3A_71 = vector.shape_cast %mul3A_60 : vector<32x128xf32> to vector<32x1x128xf32>
    %div3A_72 = arith.constant 1.000000e+06 : f32
    %div3A_73 = arith.constant 3.200000e+01 : f32
    %div3A_74 = arith.divf %div3A_72, %div3A_73 : f32
    %log3A = math.log %div3A_74 : f32
    %iota3A = tpu.iota {dimensions = array<i32: 0>} : vector<16x1x1xi32>
    %shift_left3A = arith.constant 1 : i32
    %shift_left3A_75 = vector.broadcast %shift_left3A : i32 to vector<16x1x1xi32>
    %shift_left3A_76 = arith.shli %shift_left3A_75, %iota3A : vector<16x1x1xi32>
    %sub3A_77 = arith.constant 1 : i32
    %sub3A_78 = vector.broadcast %sub3A_77 : i32 to vector<16x1x1xi32>
    %sub3A_79 = arith.subi %shift_left3A_76, %sub3A_78 : vector<16x1x1xi32>
    %and3A = vector.broadcast %sub3A_79 : vector<16x1x1xi32> to vector<16x8x128xi32>
    %and3A_80 = arith.andi %get3A_7, %and3A : vector<16x8x128xi32>
    %broadcast_in_dim3A_81 = arith.constant 0x7F800000 : f32
    %broadcast_in_dim3A_82 = vector.broadcast %broadcast_in_dim3A_81 : f32 to vector<8x128xf32>
    %broadcast_in_dim3A_83 = arith.constant 0.000000e+00 : f32
    %broadcast_in_dim3A_84 = vector.broadcast %broadcast_in_dim3A_83 : f32 to vector<8x128xf32>
    %broadcast_in_dim3A_85 = arith.constant 0.000000e+00 : f32
    %broadcast_in_dim3A_86 = vector.broadcast %broadcast_in_dim3A_85 : f32 to vector<8x128xf32>
    %broadcast_in_dim3A_87 = arith.constant 0 : i32
    %broadcast_in_dim3A_88 = vector.broadcast %broadcast_in_dim3A_87 : i32 to vector<8x128xi32>
    %while3A = arith.constant 0 : i32
    %while3A_89 = arith.constant 33 : i32
    %while3A_90 = arith.subi %while3A_89, %while3A : i32
    %while3A_91 = arith.addi %while3A, %while3A_90 : i32
    %while3A_92 = arith.constant 1 : i32
    %while3A_93 = arith.divsi %while3A_90, %while3A_92 : i32
    %while3A_94 = arith.muli %while3A_93, %while3A_92 : i32
    %while3A_95 = arith.addi %while3A, %while3A_94 : i32
    %while3A_96 = arith.constant 1 : i32
    %while3A_97:4 = scf.for %while3A_125 = %while3A to %while3A_95 step %while3A_96 iter_args(%while3A_126 = %broadcast_in_dim3A_82, %while3A_127 = %broadcast_in_dim3A_84, %while3A_128 = %broadcast_in_dim3A_86, %while3A_129 = %broadcast_in_dim3A_88) -> (vector<8x128xf32>, vector<8x128xf32>, vector<8x128xf32>, vector<8x128xi32>)  : i32 {
      %lt3A_130 = arith.constant 16 : i32
      %lt3A_131 = arith.cmpi slt, %while3A_125, %lt3A_130 : i32
      %sub3A_132 = arith.constant 17 : i32
      %sub3A_133 = arith.subi %while3A_125, %sub3A_132 : i32
      %select_n3A_134 = arith.select %lt3A_131, %while3A_125, %sub3A_133 : i32
      %max3A_135 = arith.constant 0 : i32
      %max3A_136 = arith.maxsi %select_n3A_134, %max3A_135 : i32
      %shift_left3A_137 = arith.constant 1 : i32
      %shift_left3A_138 = arith.shli %shift_left3A_137, %max3A_136 : i32
      %eq3A = vector.broadcast %max3A_136 : i32 to vector<16x1x1xi32>
      %eq3A_139 = arith.cmpi eq, %iota3A, %eq3A : vector<16x1x1xi32>
      %jit3A = arith.constant 0 : i64
      %convert_element_type3A_140 = arith.trunci %jit3A : i64 to i32
      %broadcast_in_dim3A_141 = vector.shape_cast %eq3A_139 : vector<16x1x1xi1> to vector<16x1x1xi1>
      %broadcast_in_dim3A_142 = vector.broadcast %broadcast_in_dim3A_141 : vector<16x1x1xi1> to vector<16x8x128xi1>
      %broadcast_in_dim3A_143 = vector.broadcast %convert_element_type3A_140 : i32 to vector<16x8x128xi32>
      %select_n3A_144 = arith.select %broadcast_in_dim3A_142, %and3A_80, %broadcast_in_dim3A_143 : vector<16x8x128xi1>, vector<16x8x128xi32>
      %reduce_sum3A_145 = arith.constant dense<0> : vector<8x128xi32>
      %reduce_sum3A_146 = vector.multi_reduction <add>, %select_n3A_144, %reduce_sum3A_145 [0] : vector<16x8x128xi32> to vector<8x128xi32>
      %xor3A_147 = vector.broadcast %shift_left3A_138 : i32 to vector<8x128xi32>
      %xor3A_148 = arith.xori %squeeze3A, %xor3A_147 : vector<8x128xi32>
      %xor3A_149 = arith.xori %xor3A_148, %reduce_sum3A_146 : vector<8x128xi32>
      %eq3A_150 = arith.constant 16 : i32
      %eq3A_151 = arith.cmpi eq, %while3A_125, %eq3A_150 : i32
      %lt3A_152 = arith.constant 16 : i32
      %lt3A_153 = arith.cmpi slt, %while3A_125, %lt3A_152 : i32
      %neg3A_154 = arith.constant 0 : i32
      %neg3A_155 = vector.broadcast %neg3A_154 : i32 to vector<8x128xi32>
      %neg3A_156 = arith.subi %neg3A_155, %xor3A_149 : vector<8x128xi32>
      %select_n3A_157 = arith.select %lt3A_153, %xor3A_149, %neg3A_156 : vector<8x128xi32>
      %select_n3A_158 = arith.select %eq3A_151, %squeeze3A, %select_n3A_157 : vector<8x128xi32>
      %abs3A_159 = math.absi %select_n3A_158 : vector<8x128xi32>
      %broadcast_in_dim3A_160 = vector.shape_cast %abs3A_159 : vector<8x128xi32> to vector<1x8x128xi32>
      %xor3A_161 = vector.broadcast %broadcast_in_dim3A_160 : vector<1x8x128xi32> to vector<64x8x128xi32>
      %xor3A_162 = arith.xori %abs3A, %xor3A_161 : vector<64x8x128xi32>
      %add3A_163 = arith.constant 1 : i32
      %add3A_164 = vector.broadcast %add3A_163 : i32 to vector<64x8x128xi32>
      %add3A_165 = arith.addi %xor3A_162, %add3A_164 : vector<64x8x128xi32>
      %convert_element_type3A_166 = arith.sitofp %add3A_165 : vector<64x8x128xi32> to vector<64x8x128xf32>
      %bitcast_convert_type3A_167 = tpu.bitcast %convert_element_type3A_166 : vector<64x8x128xf32> -> vector<64x8x128xi32>
      %shift_right_arithmetic3A_168 = arith.constant 23 : i32
      %shift_right_arithmetic3A_169 = vector.broadcast %shift_right_arithmetic3A_168 : i32 to vector<64x8x128xi32>
      %shift_right_arithmetic3A_170 = arith.shrsi %bitcast_convert_type3A_167, %shift_right_arithmetic3A_169 : vector<64x8x128xi32>
      %sub3A_171 = arith.constant 142 : i32
      %sub3A_172 = vector.broadcast %sub3A_171 : i32 to vector<64x8x128xi32>
      %sub3A_173 = arith.subi %sub3A_172, %shift_right_arithmetic3A_170 : vector<64x8x128xi32>
      %lt3A_174 = arith.constant 0 : i32
      %lt3A_175 = vector.broadcast %lt3A_174 : i32 to vector<8x128xi32>
      %lt3A_176 = arith.cmpi slt, %select_n3A_158, %lt3A_175 : vector<8x128xi32>
      %broadcast_in_dim3A_177 = vector.shape_cast %lt3A_176 : vector<8x128xi1> to vector<1x8x128xi1>
      %xor3A_178 = vector.broadcast %broadcast_in_dim3A_177 : vector<1x8x128xi1> to vector<64x8x128xi1>
      %xor3A_179 = arith.xori %lt3A_9, %xor3A_178 : vector<64x8x128xi1>
      %neg3A_180 = arith.constant 0 : i32
      %neg3A_181 = vector.broadcast %neg3A_180 : i32 to vector<64x8x128xi32>
      %neg3A_182 = arith.subi %neg3A_181, %sub3A_173 : vector<64x8x128xi32>
      %select_n3A_183 = arith.select %xor3A_179, %neg3A_182, %sub3A_173 : vector<64x8x128xi1>, vector<64x8x128xi32>
      %add3A_184 = arith.addi %sub3A_29, %select_n3A_183 : vector<64x8x128xi32>
      %convert_element_type3A_185 = arith.sitofp %add3A_184 : vector<64x8x128xi32> to vector<64x8x128xf32>
      %mul3A_186 = arith.constant 7.812500e-03 : f32
      %mul3A_187 = vector.broadcast %mul3A_186 : f32 to vector<64x8x128xf32>
      %mul3A_188 = arith.mulf %convert_element_type3A_185, %mul3A_187 : vector<64x8x128xf32>
      %slice3A_189 = vector.extract_strided_slice %mul3A_188 {offsets = [0, 0, 0], sizes = [32, 8, 128], strides = [1, 1, 1]} : vector<64x8x128xf32> to vector<32x8x128xf32>
      %sub3A_190 = vector.broadcast %broadcast_in_dim3A_70 : vector<32x1x128xf32> to vector<32x8x128xf32>
      %sub3A_191 = arith.subf %slice3A_189, %sub3A_190 : vector<32x8x128xf32>
      %mul3A_192 = arith.mulf %sub3A_191, %sub3A_191 : vector<32x8x128xf32>
      %mul3A_193 = vector.broadcast %broadcast_in_dim3A_71 : vector<32x1x128xf32> to vector<32x8x128xf32>
      %mul3A_194 = arith.mulf %mul3A_192, %mul3A_193 : vector<32x8x128xf32>
      %reduce_sum3A_195 = arith.constant dense<0.000000e+00> : vector<8x128xf32>
      %reduce_sum3A_196 = vector.multi_reduction <add>, %mul3A_194, %reduce_sum3A_195 [0] : vector<32x8x128xf32> to vector<8x128xf32>
      %mul3A_197 = vector.broadcast %div3A_69 : vector<1x128xf32> to vector<8x128xf32>
      %mul3A_198 = arith.mulf %reduce_sum3A_196, %mul3A_197 : vector<8x128xf32>
      %slice3A_199 = vector.extract_strided_slice %mul3A_188 {offsets = [32, 0, 0], sizes = [32, 8, 128], strides = [1, 1, 1]} : vector<64x8x128xf32> to vector<32x8x128xf32>
      %mul3A_200 = arith.constant 2.000000e+01 : f32
      %mul3A_201 = vector.broadcast %mul3A_200 : f32 to vector<32x8x128xf32>
      %mul3A_202 = arith.mulf %slice3A_199, %mul3A_201 : vector<32x8x128xf32>
      %add3A_203 = vector.broadcast %log3A : f32 to vector<32x8x128xf32>
      %add3A_204 = arith.addf %mul3A_202, %add3A_203 : vector<32x8x128xf32>
      %reduce_max3A = arith.constant dense<0xFF800000> : vector<8x128xf32>
      %reduce_max3A_205 = vector.multi_reduction <maximumf>, %add3A_204, %reduce_max3A [0] : vector<32x8x128xf32> to vector<8x128xf32>
      %broadcast_in_dim3A_206 = vector.shape_cast %reduce_max3A_205 : vector<8x128xf32> to vector<1x8x128xf32>
      %sub3A_207 = vector.broadcast %broadcast_in_dim3A_206 : vector<1x8x128xf32> to vector<32x8x128xf32>
      %sub3A_208 = arith.subf %add3A_204, %sub3A_207 : vector<32x8x128xf32>
      %exp3A = math.exp %sub3A_208 : vector<32x8x128xf32>
      %reduce_sum3A_209 = arith.constant dense<0.000000e+00> : vector<8x128xf32>
      %reduce_sum3A_210 = vector.multi_reduction <add>, %exp3A, %reduce_sum3A_209 [0] : vector<32x8x128xf32> to vector<8x128xf32>
      %log3A_211 = math.log %reduce_sum3A_210 : vector<8x128xf32>
      %add3A_212 = arith.addf %log3A_211, %reduce_max3A_205 : vector<8x128xf32>
      %slice3A_213 = vector.extract_strided_slice %mul3A_188 {offsets = [32, 0, 0], sizes = [1, 8, 128], strides = [1, 1, 1]} : vector<64x8x128xf32> to vector<1x8x128xf32>
      %squeeze3A_214 = vector.shape_cast %slice3A_213 : vector<1x8x128xf32> to vector<8x128xf32>
      %mul3A_215 = arith.constant 2.000000e+01 : f32
      %mul3A_216 = vector.broadcast %mul3A_215 : f32 to vector<8x128xf32>
      %mul3A_217 = arith.mulf %squeeze3A_214, %mul3A_216 : vector<8x128xf32>
      %sub3A_218 = arith.subf %add3A_212, %mul3A_217 : vector<8x128xf32>
      %add3A_219 = arith.addf %mul3A_198, %sub3A_218 : vector<8x128xf32>
      %lt3A_220 = arith.cmpf olt, %add3A_219, %while3A_126 : vector<8x128xf32>
      %select_n3A_221 = arith.select %lt3A_220, %add3A_219, %while3A_126 : vector<8x128xi1>, vector<8x128xf32>
      %select_n3A_222 = arith.select %lt3A_220, %mul3A_198, %while3A_127 : vector<8x128xi1>, vector<8x128xf32>
      %select_n3A_223 = arith.select %lt3A_220, %sub3A_218, %while3A_128 : vector<8x128xi1>, vector<8x128xf32>
      %select_n3A_224 = arith.select %lt3A_220, %select_n3A_158, %while3A_129 : vector<8x128xi1>, vector<8x128xi32>
      scf.yield %select_n3A_221, %select_n3A_222, %select_n3A_223, %select_n3A_224 : vector<8x128xf32>, vector<8x128xf32>, vector<8x128xf32>, vector<8x128xi32>
    }
    %while3A_98 = arith.constant 1 : i32
    %while3A_99:4 = scf.for %while3A_125 = %while3A_95 to %while3A_91 step %while3A_98 iter_args(%while3A_126 = %while3A_97#0, %while3A_127 = %while3A_97#1, %while3A_128 = %while3A_97#2, %while3A_129 = %while3A_97#3) -> (vector<8x128xf32>, vector<8x128xf32>, vector<8x128xf32>, vector<8x128xi32>)  : i32 {
      %lt3A_130 = arith.constant 16 : i32
      %lt3A_131 = arith.cmpi slt, %while3A_125, %lt3A_130 : i32
      %sub3A_132 = arith.constant 17 : i32
      %sub3A_133 = arith.subi %while3A_125, %sub3A_132 : i32
      %select_n3A_134 = arith.select %lt3A_131, %while3A_125, %sub3A_133 : i32
      %max3A_135 = arith.constant 0 : i32
      %max3A_136 = arith.maxsi %select_n3A_134, %max3A_135 : i32
      %shift_left3A_137 = arith.constant 1 : i32
      %shift_left3A_138 = arith.shli %shift_left3A_137, %max3A_136 : i32
      %eq3A = vector.broadcast %max3A_136 : i32 to vector<16x1x1xi32>
      %eq3A_139 = arith.cmpi eq, %iota3A, %eq3A : vector<16x1x1xi32>
      %jit3A = arith.constant 0 : i64
      %convert_element_type3A_140 = arith.trunci %jit3A : i64 to i32
      %broadcast_in_dim3A_141 = vector.shape_cast %eq3A_139 : vector<16x1x1xi1> to vector<16x1x1xi1>
      %broadcast_in_dim3A_142 = vector.broadcast %broadcast_in_dim3A_141 : vector<16x1x1xi1> to vector<16x8x128xi1>
      %broadcast_in_dim3A_143 = vector.broadcast %convert_element_type3A_140 : i32 to vector<16x8x128xi32>
      %select_n3A_144 = arith.select %broadcast_in_dim3A_142, %and3A_80, %broadcast_in_dim3A_143 : vector<16x8x128xi1>, vector<16x8x128xi32>
      %reduce_sum3A_145 = arith.constant dense<0> : vector<8x128xi32>
      %reduce_sum3A_146 = vector.multi_reduction <add>, %select_n3A_144, %reduce_sum3A_145 [0] : vector<16x8x128xi32> to vector<8x128xi32>
      %xor3A_147 = vector.broadcast %shift_left3A_138 : i32 to vector<8x128xi32>
      %xor3A_148 = arith.xori %squeeze3A, %xor3A_147 : vector<8x128xi32>
      %xor3A_149 = arith.xori %xor3A_148, %reduce_sum3A_146 : vector<8x128xi32>
      %eq3A_150 = arith.constant 16 : i32
      %eq3A_151 = arith.cmpi eq, %while3A_125, %eq3A_150 : i32
      %lt3A_152 = arith.constant 16 : i32
      %lt3A_153 = arith.cmpi slt, %while3A_125, %lt3A_152 : i32
      %neg3A_154 = arith.constant 0 : i32
      %neg3A_155 = vector.broadcast %neg3A_154 : i32 to vector<8x128xi32>
      %neg3A_156 = arith.subi %neg3A_155, %xor3A_149 : vector<8x128xi32>
      %select_n3A_157 = arith.select %lt3A_153, %xor3A_149, %neg3A_156 : vector<8x128xi32>
      %select_n3A_158 = arith.select %eq3A_151, %squeeze3A, %select_n3A_157 : vector<8x128xi32>
      %abs3A_159 = math.absi %select_n3A_158 : vector<8x128xi32>
      %broadcast_in_dim3A_160 = vector.shape_cast %abs3A_159 : vector<8x128xi32> to vector<1x8x128xi32>
      %xor3A_161 = vector.broadcast %broadcast_in_dim3A_160 : vector<1x8x128xi32> to vector<64x8x128xi32>
      %xor3A_162 = arith.xori %abs3A, %xor3A_161 : vector<64x8x128xi32>
      %add3A_163 = arith.constant 1 : i32
      %add3A_164 = vector.broadcast %add3A_163 : i32 to vector<64x8x128xi32>
      %add3A_165 = arith.addi %xor3A_162, %add3A_164 : vector<64x8x128xi32>
      %convert_element_type3A_166 = arith.sitofp %add3A_165 : vector<64x8x128xi32> to vector<64x8x128xf32>
      %bitcast_convert_type3A_167 = tpu.bitcast %convert_element_type3A_166 : vector<64x8x128xf32> -> vector<64x8x128xi32>
      %shift_right_arithmetic3A_168 = arith.constant 23 : i32
      %shift_right_arithmetic3A_169 = vector.broadcast %shift_right_arithmetic3A_168 : i32 to vector<64x8x128xi32>
      %shift_right_arithmetic3A_170 = arith.shrsi %bitcast_convert_type3A_167, %shift_right_arithmetic3A_169 : vector<64x8x128xi32>
      %sub3A_171 = arith.constant 142 : i32
      %sub3A_172 = vector.broadcast %sub3A_171 : i32 to vector<64x8x128xi32>
      %sub3A_173 = arith.subi %sub3A_172, %shift_right_arithmetic3A_170 : vector<64x8x128xi32>
      %lt3A_174 = arith.constant 0 : i32
      %lt3A_175 = vector.broadcast %lt3A_174 : i32 to vector<8x128xi32>
      %lt3A_176 = arith.cmpi slt, %select_n3A_158, %lt3A_175 : vector<8x128xi32>
      %broadcast_in_dim3A_177 = vector.shape_cast %lt3A_176 : vector<8x128xi1> to vector<1x8x128xi1>
      %xor3A_178 = vector.broadcast %broadcast_in_dim3A_177 : vector<1x8x128xi1> to vector<64x8x128xi1>
      %xor3A_179 = arith.xori %lt3A_9, %xor3A_178 : vector<64x8x128xi1>
      %neg3A_180 = arith.constant 0 : i32
      %neg3A_181 = vector.broadcast %neg3A_180 : i32 to vector<64x8x128xi32>
      %neg3A_182 = arith.subi %neg3A_181, %sub3A_173 : vector<64x8x128xi32>
      %select_n3A_183 = arith.select %xor3A_179, %neg3A_182, %sub3A_173 : vector<64x8x128xi1>, vector<64x8x128xi32>
      %add3A_184 = arith.addi %sub3A_29, %select_n3A_183 : vector<64x8x128xi32>
      %convert_element_type3A_185 = arith.sitofp %add3A_184 : vector<64x8x128xi32> to vector<64x8x128xf32>
      %mul3A_186 = arith.constant 7.812500e-03 : f32
      %mul3A_187 = vector.broadcast %mul3A_186 : f32 to vector<64x8x128xf32>
      %mul3A_188 = arith.mulf %convert_element_type3A_185, %mul3A_187 : vector<64x8x128xf32>
      %slice3A_189 = vector.extract_strided_slice %mul3A_188 {offsets = [0, 0, 0], sizes = [32, 8, 128], strides = [1, 1, 1]} : vector<64x8x128xf32> to vector<32x8x128xf32>
      %sub3A_190 = vector.broadcast %broadcast_in_dim3A_70 : vector<32x1x128xf32> to vector<32x8x128xf32>
      %sub3A_191 = arith.subf %slice3A_189, %sub3A_190 : vector<32x8x128xf32>
      %mul3A_192 = arith.mulf %sub3A_191, %sub3A_191 : vector<32x8x128xf32>
      %mul3A_193 = vector.broadcast %broadcast_in_dim3A_71 : vector<32x1x128xf32> to vector<32x8x128xf32>
      %mul3A_194 = arith.mulf %mul3A_192, %mul3A_193 : vector<32x8x128xf32>
      %reduce_sum3A_195 = arith.constant dense<0.000000e+00> : vector<8x128xf32>
      %reduce_sum3A_196 = vector.multi_reduction <add>, %mul3A_194, %reduce_sum3A_195 [0] : vector<32x8x128xf32> to vector<8x128xf32>
      %mul3A_197 = vector.broadcast %div3A_69 : vector<1x128xf32> to vector<8x128xf32>
      %mul3A_198 = arith.mulf %reduce_sum3A_196, %mul3A_197 : vector<8x128xf32>
      %slice3A_199 = vector.extract_strided_slice %mul3A_188 {offsets = [32, 0, 0], sizes = [32, 8, 128], strides = [1, 1, 1]} : vector<64x8x128xf32> to vector<32x8x128xf32>
      %mul3A_200 = arith.constant 2.000000e+01 : f32
      %mul3A_201 = vector.broadcast %mul3A_200 : f32 to vector<32x8x128xf32>
      %mul3A_202 = arith.mulf %slice3A_199, %mul3A_201 : vector<32x8x128xf32>
      %add3A_203 = vector.broadcast %log3A : f32 to vector<32x8x128xf32>
      %add3A_204 = arith.addf %mul3A_202, %add3A_203 : vector<32x8x128xf32>
      %reduce_max3A = arith.constant dense<0xFF800000> : vector<8x128xf32>
      %reduce_max3A_205 = vector.multi_reduction <maximumf>, %add3A_204, %reduce_max3A [0] : vector<32x8x128xf32> to vector<8x128xf32>
      %broadcast_in_dim3A_206 = vector.shape_cast %reduce_max3A_205 : vector<8x128xf32> to vector<1x8x128xf32>
      %sub3A_207 = vector.broadcast %broadcast_in_dim3A_206 : vector<1x8x128xf32> to vector<32x8x128xf32>
      %sub3A_208 = arith.subf %add3A_204, %sub3A_207 : vector<32x8x128xf32>
      %exp3A = math.exp %sub3A_208 : vector<32x8x128xf32>
      %reduce_sum3A_209 = arith.constant dense<0.000000e+00> : vector<8x128xf32>
      %reduce_sum3A_210 = vector.multi_reduction <add>, %exp3A, %reduce_sum3A_209 [0] : vector<32x8x128xf32> to vector<8x128xf32>
      %log3A_211 = math.log %reduce_sum3A_210 : vector<8x128xf32>
      %add3A_212 = arith.addf %log3A_211, %reduce_max3A_205 : vector<8x128xf32>
      %slice3A_213 = vector.extract_strided_slice %mul3A_188 {offsets = [32, 0, 0], sizes = [1, 8, 128], strides = [1, 1, 1]} : vector<64x8x128xf32> to vector<1x8x128xf32>
      %squeeze3A_214 = vector.shape_cast %slice3A_213 : vector<1x8x128xf32> to vector<8x128xf32>
      %mul3A_215 = arith.constant 2.000000e+01 : f32
      %mul3A_216 = vector.broadcast %mul3A_215 : f32 to vector<8x128xf32>
      %mul3A_217 = arith.mulf %squeeze3A_214, %mul3A_216 : vector<8x128xf32>
      %sub3A_218 = arith.subf %add3A_212, %mul3A_217 : vector<8x128xf32>
      %add3A_219 = arith.addf %mul3A_198, %sub3A_218 : vector<8x128xf32>
      %lt3A_220 = arith.cmpf olt, %add3A_219, %while3A_126 : vector<8x128xf32>
      %select_n3A_221 = arith.select %lt3A_220, %add3A_219, %while3A_126 : vector<8x128xi1>, vector<8x128xf32>
      %select_n3A_222 = arith.select %lt3A_220, %mul3A_198, %while3A_127 : vector<8x128xi1>, vector<8x128xf32>
      %select_n3A_223 = arith.select %lt3A_220, %sub3A_218, %while3A_128 : vector<8x128xi1>, vector<8x128xf32>
      %select_n3A_224 = arith.select %lt3A_220, %select_n3A_158, %while3A_129 : vector<8x128xi1>, vector<8x128xi32>
      scf.yield %select_n3A_221, %select_n3A_222, %select_n3A_223, %select_n3A_224 : vector<8x128xf32>, vector<8x128xf32>, vector<8x128xf32>, vector<8x128xi32>
    }
    %swap3A = arith.constant 0 : index
    %swap3A_100 = arith.constant 0 : index
    %swap3A_101 = vector.load %arg6[%swap3A, %swap3A_100] : memref<8x128xi32, #tpu.memory_space<vmem>>, vector<8x128xi32>
    tpu.vector_store %arg6[%swap3A, %swap3A_100], %while3A_99#3 {strides = array<i32>} : memref<8x128xi32, #tpu.memory_space<vmem>>, vector<8x128xi32>,
    %reduce_sum3A_102 = arith.constant dense<0.000000e+00> : vector<128xf32>
    %reduce_sum3A_103 = vector.multi_reduction <add>, %while3A_99#1, %reduce_sum3A_102 [0] : vector<8x128xf32> to vector<128xf32>
    %broadcast_in_dim3A_104 = vector.shape_cast %reduce_sum3A_103 : vector<128xf32> to vector<1x128xf32>
    %mul3A_105 = arith.constant 1.250000e-01 : f32
    %mul3A_106 = vector.broadcast %mul3A_105 : f32 to vector<1x128xf32>
    %mul3A_107 = arith.mulf %broadcast_in_dim3A_104, %mul3A_106 : vector<1x128xf32>
    %reduce_sum3A_108 = arith.constant dense<0.000000e+00> : vector<128xf32>
    %reduce_sum3A_109 = vector.multi_reduction <add>, %while3A_99#2, %reduce_sum3A_108 [0] : vector<8x128xf32> to vector<128xf32>
    %broadcast_in_dim3A_110 = vector.shape_cast %reduce_sum3A_109 : vector<128xf32> to vector<1x128xf32>
    %mul3A_111 = arith.constant 1.250000e-01 : f32
    %mul3A_112 = vector.broadcast %mul3A_111 : f32 to vector<1x128xf32>
    %mul3A_113 = arith.mulf %broadcast_in_dim3A_110, %mul3A_112 : vector<1x128xf32>
    %reduce_sum3A_114 = arith.constant dense<0.000000e+00> : vector<128xf32>
    %reduce_sum3A_115 = vector.multi_reduction <add>, %while3A_99#0, %reduce_sum3A_114 [0] : vector<8x128xf32> to vector<128xf32>
    %broadcast_in_dim3A_116 = vector.shape_cast %reduce_sum3A_115 : vector<128xf32> to vector<1x128xf32>
    %mul3A_117 = arith.constant 1.250000e-01 : f32
    %mul3A_118 = vector.broadcast %mul3A_117 : f32 to vector<1x128xf32>
    %mul3A_119 = arith.mulf %broadcast_in_dim3A_116, %mul3A_118 : vector<1x128xf32>
    %broadcast_in_dim3A_120 = arith.constant 0.000000e+00 : f32
    %broadcast_in_dim3A_121 = vector.broadcast %broadcast_in_dim3A_120 : f32 to vector<5x128xf32>
    %concatenate3A = tpu.concatenate %mul3A_107, %mul3A_113, %mul3A_119, %broadcast_in_dim3A_121 in 0 : vector<1x128xf32>, vector<1x128xf32>, vector<1x128xf32>, vector<5x128xf32> -> vector<8x128xf32>
    %swap3A_122 = arith.constant 0 : index
    %swap3A_123 = arith.constant 0 : index
    %swap3A_124 = vector.load %arg7[%swap3A_122, %swap3A_123] : memref<8x128xf32, #tpu.memory_space<vmem>>, vector<8x128xf32>
    tpu.vector_store %arg7[%swap3A_122, %swap3A_123], %concatenate3A {strides = array<i32>} : memref<8x128xf32, #tpu.memory_space<vmem>>, vector<8x128xf32>,
    return
  }
  func.func @transform_0(%arg0: i32) -> (i32, i32, i32) {
    %mul3A = arith.constant 0 : i32
    %mul3A_0 = arith.muli %arg0, %mul3A : i32
    %mul3A_1 = arith.constant 0 : i32
    %mul3A_2 = arith.muli %arg0, %mul3A_1 : i32
    %c0_i32 = arith.constant 0 : i32
    return %mul3A_0, %mul3A_2, %arg0 : i32, i32, i32
  }
  func.func @transform_1(%arg0: i32) -> (i32, i32, i32) {
    %mul3A = arith.constant 0 : i32
    %mul3A_0 = arith.muli %arg0, %mul3A : i32
    %mul3A_1 = arith.constant 0 : i32
    %mul3A_2 = arith.muli %arg0, %mul3A_1 : i32
    %c0_i32 = arith.constant 0 : i32
    return %mul3A_0, %mul3A_2, %arg0 : i32, i32, i32
  }
  func.func @transform_2(%arg0: i32) -> (i32, i32) {
    %mul3A = arith.constant 0 : i32
    %mul3A_0 = arith.muli %arg0, %mul3A : i32
    %c0_i32 = arith.constant 0 : i32
    return %mul3A_0, %arg0 : i32, i32
  }
  func.func @transform_3(%arg0: i32) -> (i32, i32, i32) {
    %mul3A = arith.constant 0 : i32
    %mul3A_0 = arith.muli %arg0, %mul3A : i32
    %mul3A_1 = arith.constant 0 : i32
    %mul3A_2 = arith.muli %arg0, %mul3A_1 : i32
    %c0_i32 = arith.constant 0 : i32
    return %mul3A_0, %mul3A_2, %arg0 : i32, i32, i32
  }
  func.func @transform_4(%arg0: i32) -> (i32, i32) {
    %mul3A = arith.constant 0 : i32
    %mul3A_0 = arith.muli %arg0, %mul3A : i32
    %c0_i32 = arith.constant 0 : i32
    return %mul3A_0, %arg0 : i32, i32
  }
  func.func @transform_5(%arg0: i32) -> (i32, i32) {
    %mul3A = arith.constant 0 : i32
    %mul3A_0 = arith.muli %arg0, %mul3A : i32
    %c0_i32 = arith.constant 0 : i32
    return %mul3A_0, %arg0 : i32, i32
  }
  func.func @transform_6(%arg0: i32) -> (i32, i32) {
    %mul3A = arith.constant 0 : i32
    %mul3A_0 = arith.muli %arg0, %mul3A : i32
    %c0_i32 = arith.constant 0 : i32
    return %mul3A_0, %arg0 : i32, i32
  }
}

</mosaic_0001>

<sc_bundles>
// kernel: kernel.4.cloned.1.call-start
scs
__scs_entry_jumppad:
0x0: {  	(pc) =	sbr.rel $0x88, $3  }
0x1: {  	(tag) =	ssettag $0x0;
	lr =	simm.s32 $0x1  }
0x2: {  	[smem:$0x3F99] =	sst lr;
	_ =	strace $0xD0000000  }
0x3: {  	_ = 	snop  }
0x4: {  	_ = 	snop  }
0x5: {  	_ = 	snop  }
0x6: {  	_ = 	snop  }
0x7: {  	_ = 	snop  }
__scs_overlays_trampoline_lowered:
0x8: {  	[smem:$0x3FA8] =	sst s0  }
0x9: {  	[smem:$0x3FA9] =	sst s1  }
0xa: {  	[smem:$0x3FAA] =	sst s2  }
0xb: {  	[smem:$0x3FAB] =	sst s3  }
0xc: {  	[smem:$0x3FAC] =	sst s4  }
0xd: {  	[smem:$0x3FAD] =	sst s5  }
0xe: {  	[smem:$0x3FAE] =	sst s6  }
0xf: {  	[smem:$0x3FAF] =	sst s7  }
0x10: {  	[smem:$0x3FB0] =	sst s8  }
0x11: {  	[smem:$0x3FB1] =	sst s9;
	s0 =	simm.s32 @!p0 $0x0  }
0x12: {  	s1 =	sld [smem:$0x3F97];
	s0 =	simm.s32 @p0 $0x1  }
0x13: {  	[smem:$0x3FB2] =	sst s0;
	s0 =	simm.s32 @!p1 $0x0  }
0x14: {  	s2 =	sld [smem:$0x3F96];
	s0 =	simm.s32 @p1 $0x1  }
0x15: {  	[smem:$0x3FB3] =	sst s0;
	s0 =	simm.s32 @!p2 $0x0  }
0x16: {  	s3 =	sld [smem:$0x3FDB];
	s0 =	simm.s32 @p2 $0x1  }
0x17: {  	s4 =	simm.s32 $0x1BF5;
	[smem:$0x3FB5] =	sst s0  }
0x18: {  	s0 =	sld [smem:$0x3F98];
	_ =	swait.ge [sflag:s4], $0x0  }
0x19: {  	s7 =	sld [smem:$0x3F99]  }
0x1a: {  	s8 =	sadd.s32 $0xFFFFE003, lr  }
0x1b: {  	s9 =	sadd.s32 $0xFFFFFEF7, lr;
	s5 =	simm.s32 $0xFFFFFFFF;
	p2 =	slt.u32 s8, $0xFFFFF086  }
0x1c: {  	p1 =	slt.u32 s9, $0xF7A;
	s5 =	simm.s32 @!p2 $0x0  }
0x1d: {  	s5 =	simm.s32 @p1 $0x1;
	p0 =	seq.s32 s7, s2  }
0x1e: {  	s7 =	smul.u32 @!p0 $0xF7A, s2;
	p2 =	seq.s32 @!p0 s5, $0x0  }
0x1f: {  	s9 =	smul.u32 $0xF7A, s1;
	s8 =	simm.s32 @!p0 $0x1BF5;
	p2 =	por !p2, p0  }
0x20: {  	[sflag:s8] =	ssyncset.s32 @!p0 $0xFFFFF086;
	s6 =	sadd.s32 @!p0 s3, s7;
	s7 =	simm.s32 @!p0 $0x108  }
0x21: {  	s3 =	sadd.s32 s3, s9;
	s6 =	sadd.s32 @!p0 $0x88, s6;
	s7 =	simm.s32 @p2 $0x1082  }
0x22: {  	[simem:s7], [sflag:s8] =	dma.local @!p0 [hbm:s6], $0xF7A  }
0x23: {  	s9 =	sor.u32 $0xD0000000, s2;
	s6 =	simm.s32 $0x108;
	_ =	swait.ge @!p0 [sflag:s8], $0x0  }
0x24: {  	s3 =	sadd.s32 $0x88, s3;
	s6 =	simm.s32 @!p1 $0x1082;
	[sflag:s4] =	ssyncset.s32 $0xFFFFF086  }
0x25: {  	[simem:s6], [sflag:s4] =	dma.local [hbm:s3], $0xF7A  }
0x26: {  	[smem:$0x3F99] =	sst s1;
	(tag) =	ssettag s2;
	_ =	strace s9  }
0x27: {  	s1 =	sld [smem:$0x3FA9]  }
0x28: {  	s2 =	sld [smem:$0x3FAA]  }
0x29: {  	s4 =	sld [smem:$0x3FAC]  }
0x2a: {  	p0 =	seq.s32 s5, $0x0;
	s5 =	sld [smem:$0x3FAD]  }
0x2b: {  	s6 =	sld [smem:$0x3FAE]  }
0x2c: {  	s7 =	sld [smem:$0x3FAF]  }
0x2d: {  	s3 =	simm.s32 $0x108;
	s8 =	sld [smem:$0x3FB0]  }
0x2e: {  	s3 =	simm.s32 @!p0 $0x1082;
	s9 =	sld [smem:$0x3FB1]  }
0x2f: {  	lr =	sadd.s32 s0, s3;
	s0 =	sld [smem:$0x3FA8]  }
0x30: {  	s3 =	sld [smem:$0x3FAB]  }
0x31: {  	[smem:$0x3FB4] =	sst s10  }
0x32: {  	s10 =	sld [smem:$0x3FB2];
	_ =	sdelay $0x3  }
0x33: {  	p0 =	seq.s32 s10, $0x1;
	s10 =	sld [smem:$0x3FB4];
	_ =	sdelay $0x3  }
0x34: {  	[smem:$0x3FB4] =	sst s10  }
0x35: {  	s10 =	sld [smem:$0x3FB3];
	_ =	sdelay $0x3  }
0x36: {  	p1 =	seq.s32 s10, $0x1;
	s10 =	sld [smem:$0x3FB4];
	_ =	sdelay $0x3  }
0x37: {  	[smem:$0x3FB4] =	sst s10  }
0x38: {  	s10 =	sld [smem:$0x3FB5]  }
0x39: {  	_ = 	snop;
	(pc) =	sbr.ind lr, $3  }
0x3a: {  	_ = 	snop  }
0x3b: {  	_ = 	snop  }
0x3c: {  	p2 =	seq.s32 s10, $0x1;
	s10 =	sld [smem:$0x3FB4]  }
0x3d: {  	_ =	shalt  }
0x3e: {  	_ =	shalt  }
0x3f: {  	_ =	shalt  }
0x40: {  	_ =	shalt  }
0x41: {  	_ =	shalt  }
0x42: {  	_ =	shalt  }
0x43: {  	_ =	shalt  }
0x44: {  	_ =	shalt  }
0x45: {  	_ =	shalt  }
0x46: {  	_ =	shalt  }
0x47: {  	_ =	shalt  }
0x48: {  	_ =	shalt  }
0x49: {  	_ =	shalt  }
0x4a: {  	_ =	shalt  }
0x4b: {  	_ =	shalt  }
0x4c: {  	_ =	shalt  }
0x4d: {  	_ =	shalt  }
0x4e: {  	_ =	shalt  }
0x4f: {  	_ =	shalt  }
0x50: {  	_ =	shalt  }
0x51: {  	_ =	shalt  }
0x52: {  	_ =	shalt  }
0x53: {  	_ =	shalt  }
0x54: {  	_ =	shalt  }
0x55: {  	_ =	shalt  }
0x56: {  	_ =	shalt  }
0x57: {  	_ =	shalt  }
0x58: {  	_ =	shalt  }
0x59: {  	_ =	shalt  }
0x5a: {  	_ =	shalt  }
0x5b: {  	_ =	shalt  }
0x5c: {  	_ =	shalt  }
0x5d: {  	_ =	shalt  }
0x5e: {  	_ =	shalt  }
0x5f: {  	_ =	shalt  }
0x60: {  	_ =	shalt  }
0x61: {  	_ =	shalt  }
0x62: {  	_ =	shalt  }
0x63: {  	_ =	shalt  }
0x64: {  	_ =	shalt  }
0x65: {  	_ =	shalt  }
0x66: {  	_ =	shalt  }
0x67: {  	_ =	shalt  }
0x68: {  	_ =	shalt  }
0x69: {  	_ =	shalt  }
0x6a: {  	_ =	shalt  }
0x6b: {  	_ =	shalt  }
0x6c: {  	_ =	shalt  }
0x6d: {  	_ =	shalt  }
0x6e: {  	_ =	shalt  }
0x6f: {  	_ =	shalt  }
0x70: {  	_ =	shalt  }
0x71: {  	_ =	shalt  }
0x72: {  	_ =	shalt  }
0x73: {  	_ =	shalt  }
0x74: {  	_ =	shalt  }
0x75: {  	_ =	shalt  }
0x76: {  	_ =	shalt  }
0x77: {  	_ =	shalt  }
0x78: {  	_ =	shalt  }
0x79: {  	_ =	shalt  }
0x7a: {  	_ =	shalt  }
0x7b: {  	_ =	shalt  }
0x7c: {  	_ =	shalt  }
0x7d: {  	_ =	shalt  }
0x7e: {  	_ =	shalt  }
0x7f: {  	_ =	shalt  }
0x80: {  	_ =	shalt  }
0x81: {  	_ =	shalt  }
0x82: {  	_ =	shalt  }
0x83: {  	_ =	shalt  }
0x84: {  	_ =	shalt  }
0x85: {  	_ =	shalt  }
0x86: {  	_ =	shalt  }
0x87: {  	_ =	shalt  }
.Lfunc_end0:
.L_simem_size_0:
called_computation_lowered:
.L_overlay_start_0:
0x88: {  	s2 =	sld [smem:$0x3FD9]  }
0x89: {  	s3 =	sld [smem:$0x3FFE];
	_ =	sdelay $0x1  }
0x8a: {  	s1 =	srdreg.scid  }
0x8b: {  	s0 =	sand.u32 $0x1, s1  }
0x8c: {  	s16 =	sshll.u32 s0, $0xA;
	s2 =	sadd.s32 s3, s2  }
0x8d: {  	s2 =	sadd.s32 s2, s16  }
0x8e: {  	[smem:$0x3FC0] =	sst s2  }
0x8f: {  	_ = 	snop  }
0x90: {  	(tm) =	ssettm $0x1  }
0x91: {  	s17 =	sld [smem:$0x3FFB];
	_ =	sdelay $0x3  }
0x92: {  	_ =	strace s17  }
0x93: {  	s2 =	sld [smem:$0x3FFC];
	_ =	sdelay $0x3  }
0x94: {  	_ =	strace s2  }
0x95: {  	s2 =	sld [smem:$0x3FFD];
	_ =	sdelay $0x3  }
0x96: {  	_ =	strace s2  }
0x97: {  	_ =	strace $0x8FFFFFFF  }
0x98: {  	s18 =	sld [smem:$0x3FDB];
	_ =	sdelay $0x1  }
0x99: {  	s19 =	simm.s32 $_scs_section_size  }
0x9a: {  	s4 =	simm.s32 $_size__tile_overlayer_lowered;
	s5 =	simm.s32 $_tile_overlayer_lowered  }
0x9b: {  	s22 =	simm.s32 $0x1BFF;
	s21 =	sshll.u32 s5, $0x1;
	s2 =	sadd.s32 s19, s18  }
0x9c: {  	s6 =	simm.s32 $0x0;
	s20 =	sshll.u32 s4, $0x1;
	s4 =	sadd.s32 s21, s2  }
0x9d: {  	[timem:s6], [sflag:s22] =	dma.local [hbm:s4], s20  }
0x9e: {  	_ =	swait.ge [sflag:s22], s20  }
0x9f: {  	s3 =	ssub.s32 $0x0, s20;
	[sflag:s22] =	ssyncset.done $0x0  }
0xa0: {  	[sflag:s22] =	ssyncadd.s32 s3;
	_ =	sdelay $0x1  }
0xa1: {  	s23 =	simm.s32 $0x1B8B  }
0xa2: {  	_ =	swait.ge [sflag:s23], $0x1  }
0xa3: {  	[sflag:s23] =	ssyncset.done $0x0  }
0xa4: {  	s25 =	simm.s32 $0x1B8E;
	s24 =	sld [smem:$0x3FFE];
	[sflag:s23] =	ssyncadd.s32 $0xFFFFFFFF  }
0xa5: {  	s26 =	simm.s32 $execute0_lowered;
	[smem:$0x3FD2] =	sst s25  }
0xa6: {  	s4 =	sshll.u32 s26, $0x1;
	_ =	strace $0x80000046;
	[dreg:$0x1] =	wrdreg $0xFFFFFFFF  }
0xa7: {  	s28 =	simm.s32 $_size_execute0_lowered;
	s2 =	sadd.s32 s2, s4;
	[dreg:$0x0] =	wrdreg $0x0  }
0xa8: {  	s4 =	sshll.u32 s28, $0x1;
	[dreg:$0x2] =	wrdreg s2  }
0xa9: {  	[dreg:$0x3] =	wrdreg s4  }
0xaa: {  	[dreg:$0x4] =	wrdreg $0xC0  }
0xab: {  	_ =	task [dreg:s6], $0x5FFFF  }
0xac: {  	[dreg:$0x1] =	wrdreg $0xFFFFFFFF  }
0xad: {  	[dreg:$0x0] =	wrdreg $0x60  }
0xae: {  	[dreg:$0x2] =	wrdreg s24  }
0xaf: {  	[dreg:$0x3] =	wrdreg $0x9  }
0xb0: {  	_ =	task.clear_ibuf [dreg:s6], $0x4FFFF;
	_ =	strace $0x90000046  }
0xb1: {  	s29 =	simm.s32 $0x9;
	_ =	strace $0x80000048  }
0xb2: {  	_ =	swait.ge [sflag:s29], $0x1  }
0xb3: {  	[sflag:s29] =	ssyncadd.s32 $0xFFFFFFFF  }
0xb4: {  	_ =	strace $0x90000048  }
0xb5: {  	_ =	sfence  }
0xb6: {  	s30 =	sld [smem:$0x0];
	_ =	sdelay $0x2  }
0xb7: {  	s31 =	sshll.u32 s1, $0xD;
	s1 =	sshrl.u32 s1, $0x2  }
0xb8: {  	s3 =	sand.u32 $0x4000, s31;
	s1 =	sadd.s32 s1, s30  }
0xb9: {  	s0 =	sor.u32 s3, s0;
	s1 =	sshll.u32 s1, $0x11  }
0xba: {  	s0 =	sor.u32 s1, s0  }
0xbb: {  	s0 =	sadd.s32 $0x8F2B, s0  }
0xbc: {  	[sflag:s0] =	ssyncadd.remote.s32 $0x1  }
0xbd: {  	_ =	sfence.sel $0xFFFF  }
0xbe: {  	[dreg:$0x0] =	wrdreg $0xFFFFFFFF;
	(pc) =	sbr.abs _section_cstart, $3  }
0xbf: {  	[dreg:$0x1] =	wrdreg $0xFFFFFFFF  }
0xc0: {  	_ =	task.clear_ibuf [dreg:s6], $0x2FFFF;
	_ =	strace $0x9FFFFFFF  }
0xc1: {  	(tm) =	ssettm $0x7FFFFFFF  }
tec
execute0_lowered:
.L_overlay_start_1:
0x0: {  	(tag) =	ssettag $0x1  }
0x1: {  	s1 =	srdreg.scid;
	s0 =	stileid.u32  }
0x2: {  	s22 =	sand.u32 $0x1, s1;
	s31 =	sshll.u32 s0, $0x1  }
0x3: {  	s19 =	rddreg [dreg:$0x0];
	s3 =	sor.u32 s22, s31  }
0x4: {  	s2 =	simm.s32 $0x0;
	s1 =	rddreg [dreg:$0x1];
	s3 =	smul.u32 $0x104, s3  }
0x5: {  	[smem:$0x7FF] =	sst s2  }
0x6: {  	_ =	strace $0x80000047;
	s4 =	sadd.s32 s19, s3;
	s3 =	simm.s32 $0x2  }
0x7: {  	[tilespmem:s2], [sflag:$0x2] =	stream.linear.gather [hbm4b:s4+s2], $0x820, $0x38;
	[tilespmem:$0x4920] =	vst v63  }
0x8: {  	_ =	swait.ge [sflag:s3], $0x820  }
0x9: {  	[sflag:s3] =	ssyncset.done $0x0  }
0xa: {  	s6 =	simm.s32 $0x820;
	s5 =	sadd.s32 $0x1CAA00, s19;
	[sflag:s3] =	ssyncadd.s32 $0xFFFFF7E0  }
0xb: {  	[tilespmem:s6], [sflag:$0x1] =	stream.indirect.gather [hbm4b:s5+s6], $0x1, s2, s6, $0xb8;
	[tilespmem:$0x4920] =	vst v63  }
0xc: {  	s8 =	simm.s32 $0x1040;
	s7 =	sadd.s32 $0x1AC000, s19  }
0xd: {  	[tilespmem:s8], [sflag:$0x1] =	stream.indirect.gather [hbm4b:s7+s6], $0x1, s2, s6, $0xb8;
	[tilespmem:$0x4920] =	vst v63  }
0xe: {  	s10 =	simm.s32 $0x1860;
	s9 =	sadd.s32 $0x18D600, s19  }
0xf: {  	[tilespmem:s10], [sflag:$0x1] =	stream.indirect.gather [hbm4b:s9+s6], $0x1, s2, s6, $0xb8;
	[tilespmem:$0x4920] =	vst v63  }
0x10: {  	s12 =	simm.s32 $0x2080;
	s11 =	sadd.s32 $0x16EC00, s19  }
0x11: {  	[tilespmem:s12], [sflag:$0x1] =	stream.indirect.gather [hbm4b:s11+s6], $0x1, s2, s6, $0xb8;
	[tilespmem:$0x4920] =	vst v63  }
0x12: {  	s14 =	simm.s32 $0x28A0;
	s13 =	sadd.s32 $0x150200, s19  }
0x13: {  	[tilespmem:s14], [sflag:$0x1] =	stream.indirect.gather [hbm4b:s13+s6], $0x1, s2, s6, $0xb8;
	[tilespmem:$0x4920] =	vst v63  }
0x14: {  	s16 =	simm.s32 $0x30C0;
	s15 =	sadd.s32 $0x131800, s19  }
0x15: {  	[tilespmem:s16], [sflag:$0x1] =	stream.indirect.gather [hbm4b:s15+s6], $0x1, s2, s6, $0xb8;
	[tilespmem:$0x4920] =	vst v63  }
0x16: {  	s18 =	simm.s32 $0x38E0;
	s17 =	sadd.s32 $0x112E00, s19  }
0x17: {  	[tilespmem:s18], [sflag:$0x1] =	stream.indirect.gather [hbm4b:s17+s6], $0x1, s2, s6, $0xb8;
	[tilespmem:$0x4920] =	vst v63  }
0x18: {  	s20 =	simm.s32 $0x4100;
	s21 =	simm.s32 $0x1;
	s19 =	sadd.s32 $0xF4400, s19  }
0x19: {  	[tilespmem:s20], [sflag:$0x1] =	stream.indirect.gather [hbm4b:s19+s6], $0x1, s2, s6, $0xb8;
	[tilespmem:$0x4920] =	vst v63  }
0x1a: {  	_ =	swait.ge [sflag:s21], $0x820  }
0x1b: {  	[sflag:s21] =	ssyncset.done $0x0  }
0x1c: {  	[sflag:s21] =	ssyncadd.s32 $0xFFFFF7E0  }
0x1d: {  	_ =	swait.ge [sflag:s21], $0x820  }
0x1e: {  	[sflag:s21] =	ssyncset.done $0x0  }
0x1f: {  	[sflag:s21] =	ssyncadd.s32 $0xFFFFF7E0  }
0x20: {  	_ =	swait.ge [sflag:s21], $0x820  }
0x21: {  	[sflag:s21] =	ssyncset.done $0x0  }
0x22: {  	[sflag:s21] =	ssyncadd.s32 $0xFFFFF7E0  }
0x23: {  	_ =	swait.ge [sflag:s21], $0x820  }
0x24: {  	[sflag:s21] =	ssyncset.done $0x0  }
0x25: {  	[sflag:s21] =	ssyncadd.s32 $0xFFFFF7E0  }
0x26: {  	_ =	swait.ge [sflag:s21], $0x820  }
0x27: {  	[sflag:s21] =	ssyncset.done $0x0  }
0x28: {  	[sflag:s21] =	ssyncadd.s32 $0xFFFFF7E0  }
0x29: {  	_ =	swait.ge [sflag:s21], $0x820  }
0x2a: {  	[sflag:s21] =	ssyncset.done $0x0  }
0x2b: {  	s22 =	ssub.s32 $0x2, s22;
	[sflag:s21] =	ssyncadd.s32 $0xFFFFF7E0  }
0x2c: {  	s23 =	sshrl.u32 s22, $0x1;
	_ =	swait.ge [sflag:s21], $0x820  }
0x2d: {  	s23 =	ssub.s32 s22, s23;
	[sflag:s21] =	ssyncset.done $0x0  }
0x2e: {  	s24 =	smax.u32 s23, $0x1;
	[sflag:s21] =	ssyncadd.s32 $0xFFFFF7E0  }
0x2f: {  	p0 =	sne.s32 s24, $0x1;
	_ =	swait.ge [sflag:s21], $0x820  }
.Ltmp0:
0x30: {  	[sflag:s21] =	ssyncset.done $0x0;
	(pc) =	sbr.rel @!p0 .LBB2_2-.Ltmp0, $4  }
0x31: {  	s23 =	simm.s32 $0x10400;
	s22 =	sadd.s32 $0x2200, s4;
	[sflag:s21] =	ssyncadd.s32 $0xFFFFF7E0  }
0x32: {  	[hbm4b:s22+s6] =	stream.strided.scatter [tilespmem:s6], [sflag:$0x2], $0x4100, s23, s6, $0x38;
	[tilespmem:$0x4920] =	vst v63  }
0x33: {  	_ =	swait.ge [sflag:s3], $0x4100  }
0x34: {  	s24 =	sadd.s32 $0xFFFFFFFF, s24;
	[sflag:s3] =	ssyncset.done $0x0  }
.LBB2_1:
0x35: {  	p0 =	sne.s32 s24, $0x1;
	s24 =	sadd.s32 $0xFFFFFFFF, s24;
	[sflag:s3] =	ssyncadd.s32 $0xFFFFBF00  }
0x36: {  	[tilespmem:s2], [sflag:$0x2] =	stream.linear.gather [hbm4b:s4+s2], $0x820, $0x38;
	[tilespmem:$0x4920] =	vst v63  }
0x37: {  	_ =	swait.ge [sflag:s3], $0x820  }
0x38: {  	[sflag:s3] =	ssyncset.done $0x0  }
0x39: {  	[sflag:s3] =	ssyncadd.s32 $0xFFFFF7E0  }
0x3a: {  	[tilespmem:s6], [sflag:$0x1] =	stream.indirect.gather [hbm4b:s5+s6], $0x1, s2, s6, $0xb8;
	[tilespmem:$0x4920] =	vst v63  }
0x3b: {  	_ = 	snop  }
0x3c: {  	[tilespmem:s8], [sflag:$0x1] =	stream.indirect.gather [hbm4b:s7+s6], $0x1, s2, s6, $0xb8;
	[tilespmem:$0x4920] =	vst v63  }
0x3d: {  	_ = 	snop  }
0x3e: {  	[tilespmem:s10], [sflag:$0x1] =	stream.indirect.gather [hbm4b:s9+s6], $0x1, s2, s6, $0xb8;
	[tilespmem:$0x4920] =	vst v63  }
0x3f: {  	_ = 	snop  }
0x40: {  	[tilespmem:s12], [sflag:$0x1] =	stream.indirect.gather [hbm4b:s11+s6], $0x1, s2, s6, $0xb8;
	[tilespmem:$0x4920] =	vst v63  }
0x41: {  	_ = 	snop  }
0x42: {  	[tilespmem:s14], [sflag:$0x1] =	stream.indirect.gather [hbm4b:s13+s6], $0x1, s2, s6, $0xb8;
	[tilespmem:$0x4920] =	vst v63  }
0x43: {  	_ = 	snop  }
0x44: {  	[tilespmem:s16], [sflag:$0x1] =	stream.indirect.gather [hbm4b:s15+s6], $0x1, s2, s6, $0xb8;
	[tilespmem:$0x4920] =	vst v63  }
0x45: {  	_ = 	snop  }
0x46: {  	[tilespmem:s18], [sflag:$0x1] =	stream.indirect.gather [hbm4b:s17+s6], $0x1, s2, s6, $0xb8;
	[tilespmem:$0x4920] =	vst v63  }
0x47: {  	_ = 	snop  }
0x48: {  	[tilespmem:s20], [sflag:$0x1] =	stream.indirect.gather [hbm4b:s19+s6], $0x1, s2, s6, $0xb8;
	[tilespmem:$0x4920] =	vst v63  }
0x49: {  	_ =	swait.ge [sflag:s21], $0x820  }
0x4a: {  	[sflag:s21] =	ssyncset.done $0x0  }
0x4b: {  	[sflag:s21] =	ssyncadd.s32 $0xFFFFF7E0  }
0x4c: {  	_ =	swait.ge [sflag:s21], $0x820  }
0x4d: {  	[sflag:s21] =	ssyncset.done $0x0  }
0x4e: {  	[sflag:s21] =	ssyncadd.s32 $0xFFFFF7E0  }
0x4f: {  	_ =	swait.ge [sflag:s21], $0x820  }
0x50: {  	[sflag:s21] =	ssyncset.done $0x0  }
0x51: {  	[sflag:s21] =	ssyncadd.s32 $0xFFFFF7E0  }
0x52: {  	_ =	swait.ge [sflag:s21], $0x820  }
0x53: {  	[sflag:s21] =	ssyncset.done $0x0  }
0x54: {  	[sflag:s21] =	ssyncadd.s32 $0xFFFFF7E0  }
0x55: {  	_ =	swait.ge [sflag:s21], $0x820  }
0x56: {  	[sflag:s21] =	ssyncset.done $0x0  }
0x57: {  	[sflag:s21] =	ssyncadd.s32 $0xFFFFF7E0  }
0x58: {  	_ =	swait.ge [sflag:s21], $0x820  }
0x59: {  	[sflag:s21] =	ssyncset.done $0x0  }
0x5a: {  	[sflag:s21] =	ssyncadd.s32 $0xFFFFF7E0  }
0x5b: {  	_ =	swait.ge [sflag:s21], $0x820  }
0x5c: {  	[sflag:s21] =	ssyncset.done $0x0  }
0x5d: {  	[sflag:s21] =	ssyncadd.s32 $0xFFFFF7E0  }
0x5e: {  	_ =	swait.ge [sflag:s21], $0x820  }
.Ltmp1:
0x5f: {  	[sflag:s21] =	ssyncset.done $0x0;
	(pc) =	sbr.rel @p0 .LBB2_1-.Ltmp1, $4  }
0x60: {  	[sflag:s21] =	ssyncadd.s32 $0xFFFFF7E0  }
0x61: {  	[hbm4b:s22+s6] =	stream.strided.scatter [tilespmem:s6], [sflag:$0x2], $0x4100, s23, s6, $0x38;
	[tilespmem:$0x4920] =	vst v63  }
0x62: {  	_ =	swait.ge [sflag:s3], $0x4100  }
0x63: {  	[sflag:s3] =	ssyncset.done $0x0  }
.LBB2_2:
0x64: {  	[sflag:s3] =	ssyncadd.s32 $0xFFFFBF00  }
0x65: {  	_ =	sfence.sel $0x180000  }
0x66: {  	[bflag:$0x0] =	sbarrier.arrive $0xFFFF  }
0x67: {  	p0 =	sne.s32 s0, $0x0;
	_ =	strace $0x90000047  }
0x68: {  	s0 =	sadd.s32 @!p0 $0x100000, s1;
	[bflag:$0x2] =	sbarrier.arrive $0xFFFF  }
0x69: {  	[sflag:s0] =	ssyncadd.tile.s32 @!p0 $0x1;
	_ =	shalt  }
.Lfunc_end2:
_tile_overlayer_lowered:
.L_overlay_start_2:
0x6a: {  	(tag) =	ssettag $0x2  }
0x6b: {  	s0 =	rddreg [dreg:$0x0];
	s2 =	stileid.u32  }
0x6c: {  	s1 =	rddreg [dreg:$0x1];
	p0 =	sne.s32 s2, $0x0  }
0x6d: {  	s3 =	rddreg [dreg:$0x2];
	[bflag:$0x3] =	sbarrier.arrive $0xFFFF;
	s2 =	simm.s32 @!p0 $0x1C02  }
0x6e: {  	[timem:s3], [sflag:s2] =	dma.local @!p0 [hbm:s0], s1  }
0x6f: {  	s0 =	simm.s32 @!p0 $0x2  }
0x70: {  	_ =	swait.ge @!p0 [sflag:s0], s1  }
0x71: {  	s1 =	ssub.s32 @!p0 $0x0, s1;
	[sflag:s0] =	ssyncset.done @!p0 $0x0  }
0x72: {  	[sflag:s0] =	ssyncadd.s32 @!p0 s1  }
0x73: {  	[bflag:$0x3] =	sbarrier.arrive $0xFFFF  }
0x74: {  	_ =	shalt  }

</sc_bundles>
